<compile_context>
chip_gen: v7x
topology: tpu7x:2x2x1
jax: 0.10.2.dev20260603
libtpu: 0.0.44.dev20260713+nightly
codegen_flags: <defaults>
</compile_context>

<pallas_src>
import jax
import jax.numpy as jnp
from jax import lax
from jax.experimental import pallas as pl
from jax.experimental.pallas import tpu as pltpu
from jax.experimental.pallas import tpu_sc as plsc

SEQ_LEN = 200
EMBED_DIM = 64
BATCH = 4096
VOCAB = 100000
PADW = 128

NC, NS, LANES = 2, 16, 16
NW = NC * NS
BSTRIPE = BATCH // NW
NJ = BSTRIPE // LANES
ND = EMBED_DIM // LANES


def _body(idxT_hbm, tok_hbm, pos_hbm, out_hbm, idx_v, rows_v, outb_v, pos_v,
          g_sem, o_sem):
    wid = lax.axis_index("s") * NC + lax.axis_index("c")
    b0 = wid * BSTRIPE
    pltpu.sync_copy(pos_hbm, pos_v)

    iota = lax.iota(jnp.int32, LANES)
    rvecs = [iota * NJ + c for c in range(NJ)]
    dstep = iota * 13

    def start_gather(l, p):
        pltpu.sync_copy(idxT_hbm.at[pl.ds(l * BATCH + b0, BSTRIPE)],
                        idx_v.at[p])
        pltpu.async_copy(tok_hbm.at[idx_v.at[p]], rows_v.at[p], g_sem.at[p])

    def wait_gather(p):
        pltpu.make_async_copy(tok_hbm.at[idx_v.at[p]], rows_v.at[p],
                              g_sem.at[p]).wait()

    def start_out(l, p):
        pltpu.async_copy(outb_v.at[p], out_hbm.at[l, :, pl.ds(b0, BSTRIPE)],
                         o_sem.at[p])

    def wait_out(l, p):
        pltpu.make_async_copy(outb_v.at[p], out_hbm.at[l, :, pl.ds(b0, BSTRIPE)],
                              o_sem.at[p]).wait()

    start_gather(0, 0)
    start_gather(1, 1)

    def step(i, p):
        l = 2 * i + p
        wait_gather(p)
        lax.cond(i >= 1, lambda: wait_out(l - 2, p), lambda: None)
        lsplat = jnp.full((LANES,), 0, jnp.int32) + l

        @plsc.parallel_loop(0, EMBED_DIM, unroll=4)
        def diag_k(k):
            dvec = (dstep + k) & (EMBED_DIM - 1)
            pos_diag = plsc.load_gather(pos_v, [lsplat, dvec])
            for c in range(NJ):
                data = plsc.load_gather(rows_v.at[p], [rvecs[c], dvec])
                plsc.store_scatter(outb_v.at[p], [dvec, rvecs[c]],
                                   data + pos_diag)

        start_out(l, p)
        lax.cond(i < SEQ_LEN // 2 - 1, lambda: start_gather(l + 2, p),
                 lambda: None)

    def outer(i, carry):
        step(i, 0)
        step(i, 1)
        return carry

    lax.fori_loop(0, SEQ_LEN // 2, outer, 0)
    wait_out(SEQ_LEN - 2, 0)
    wait_out(SEQ_LEN - 1, 1)


_mesh = plsc.VectorSubcoreMesh(core_axis_name="c", subcore_axis_name="s")

_gather = pl.kernel(
    _body,
    out_type=jax.ShapeDtypeStruct((SEQ_LEN, EMBED_DIM, BATCH), jnp.float32),
    mesh=_mesh,
    scratch_types=[
        pltpu.VMEM((2, BSTRIPE), jnp.int32),
        pltpu.VMEM((2, BSTRIPE, PADW), jnp.float32),
        pltpu.VMEM((2, EMBED_DIM, BSTRIPE), jnp.float32),
        pltpu.VMEM((SEQ_LEN, PADW), jnp.float32),
        pltpu.SemaphoreType.DMA((2,)),
        pltpu.SemaphoreType.DMA((2,)),
    ],
    compiler_params=pltpu.CompilerParams(use_tc_tiling_on_sc=True,
                                         needs_layout_passes=False),
)


@jax.jit
def kernel(inputs, token_table, position_table):
    idxT = inputs.astype(jnp.int32).T.reshape(-1)
    tok_pad = jnp.pad(token_table, ((0, 0), (0, PADW - EMBED_DIM)))
    pos_pad = jnp.pad(position_table, ((0, 0), (0, PADW - EMBED_DIM)))
    out_t = _gather(idxT, tok_pad, pos_pad)
    return out_t.transpose(2, 0, 1)

# --- scband reference (transcript-rebuilt; emitter-appended) ---
"""Pipeline reference for scband-positional-embedding-87668872446616 (READ-ONLY COPY).

The authoritative reference and input builder live on the scoring server;
editing this copy changes nothing except your own understanding.
"""

import jax, jax.numpy as jnp
import numpy as np

SEQ_LEN = 200
VOCAB_SIZE = 100000
EMBED_DIM = 64
BATCH = 4096

def setup_inputs(seed: int = 0) -> dict:
    key = jax.random.key(seed)
    k1, k2, k3 = jax.random.split(key, 3)
    inputs = jax.random.randint(k1, (BATCH, SEQ_LEN), 0, VOCAB_SIZE, dtype=jnp.int64 if jax.config.read('jax_enable_x64') else jnp.int32)
    token_table = jax.random.normal(k2, (VOCAB_SIZE, EMBED_DIM), dtype=jnp.float32) * 0.05
    position_table = jax.random.normal(k3, (SEQ_LEN, EMBED_DIM), dtype=jnp.float32) * 0.05
    return {"inputs": inputs, "token_table": token_table, "position_table": position_table}

def reference(inputs, token_table, position_table):
    # token embedding: gather rows of token_table
    embedded_tokens = jnp.take(token_table, inputs, axis=0)  # [B, L, D]
    # position embedding: gather rows 0..L-1 of position_table
    length = inputs.shape[-1]
    positions = jnp.arange(length)
    embedded_positions = jnp.take(position_table, positions, axis=0)  # [L, D]
    return embedded_tokens + embedded_positions[None, :, :]

if __name__ == "__main__":
    import jax
    _d = setup_inputs()
    print(jax.jit(kernel)(*tuple(_d.values())))

</pallas_src>

<mosaic_0001>
#map = affine_map<(d0, d1) -> (0)>
#map1 = affine_map<(d0, d1) -> (0, 0)>
#map2 = affine_map<(d0, d1) -> (0, 0, 0)>
module attributes {stable_mosaic.version = 14 : i64} {
  func.func @_body(%arg0: i32, %arg1: i32, %arg2: memref<819200xi32, #tpu.memory_space<hbm>>, %arg3: memref<100000x128xf32, #tpu.memory_space<hbm>>, %arg4: memref<200x128xf32, #tpu.memory_space<hbm>>, %arg5: memref<200x64x4096xf32, #tpu.memory_space<hbm>>, %arg6: memref<2x128xi32, #tpu.memory_space<vmem>>, %arg7: memref<2x128x128xf32, #tpu.memory_space<vmem>>, %arg8: memref<2x64x128xf32, #tpu.memory_space<vmem>>, %arg9: memref<200x128xf32, #tpu.memory_space<vmem>>, %arg10: memref<2x!tpu.dma_semaphore, #tpu.memory_space<semaphore_mem>>, %arg11: memref<2x!tpu.dma_semaphore, #tpu.memory_space<semaphore_mem>>) attributes {dimension_semantics = [#tpu.dimension_semantics<core_parallel>, #tpu.dimension_semantics<subcore_parallel>], iteration_bounds = array<i64: 2, 16>, scalar_prefetch = 0 : i64, scratch_operands = 6 : i64, tpu.core_type = #tpu.core_type<sc_vector_subcore>, window_params = [{transform_indices = #map}, {transform_indices = #map1}, {transform_indices = #map1}, {transform_indices = #map2}]} {
    %mul3A = arith.constant 2 : i32
    %mul3A_0 = arith.muli %arg1, %mul3A : i32
    %add3A = arith.addi %mul3A_0, %arg0 : i32
    %mul3A_1 = arith.constant 128 : i32
    %mul3A_2 = arith.muli %add3A, %mul3A_1 : i32
    "tpu.region"() ({
      %run_scoped3A_130 = tpu.sem_alloc : memref<!tpu.dma_semaphore, #tpu.memory_space<semaphore_mem>>
      tpu.enqueue_dma source(%arg4 : memref<200x128xf32, #tpu.memory_space<hbm>>) target(%arg9 : memref<200x128xf32, #tpu.memory_space<vmem>>) target_semaphore(%run_scoped3A_130 : memref<!tpu.dma_semaphore, #tpu.memory_space<semaphore_mem>>)
      tpu.wait_dma2 semaphore(%run_scoped3A_130 : memref<!tpu.dma_semaphore, #tpu.memory_space<semaphore_mem>>) src(%arg4 : memref<200x128xf32, #tpu.memory_space<hbm>>) dst(%arg9 : memref<200x128xf32, #tpu.memory_space<vmem>>)
      tpu.yield
    }) : () -> ()
    %iota3A = tpu.iota {dimensions = array<i32: 0>} : vector<16xi32>
    %mul3A_3 = arith.constant 8 : i32
    %mul3A_4 = vector.broadcast %mul3A_3 : i32 to vector<16xi32>
    %mul3A_5 = arith.muli %iota3A, %mul3A_4 : vector<16xi32>
    %add3A_6 = arith.constant 0 : i32
    %add3A_7 = vector.broadcast %add3A_6 : i32 to vector<16xi32>
    %add3A_8 = arith.addi %mul3A_5, %add3A_7 : vector<16xi32>
    %mul3A_9 = arith.constant 8 : i32
    %mul3A_10 = vector.broadcast %mul3A_9 : i32 to vector<16xi32>
    %mul3A_11 = arith.muli %iota3A, %mul3A_10 : vector<16xi32>
    %add3A_12 = arith.constant 1 : i32
    %add3A_13 = vector.broadcast %add3A_12 : i32 to vector<16xi32>
    %add3A_14 = arith.addi %mul3A_11, %add3A_13 : vector<16xi32>
    %mul3A_15 = arith.constant 8 : i32
    %mul3A_16 = vector.broadcast %mul3A_15 : i32 to vector<16xi32>
    %mul3A_17 = arith.muli %iota3A, %mul3A_16 : vector<16xi32>
    %add3A_18 = arith.constant 2 : i32
    %add3A_19 = vector.broadcast %add3A_18 : i32 to vector<16xi32>
    %add3A_20 = arith.addi %mul3A_17, %add3A_19 : vector<16xi32>
    %mul3A_21 = arith.constant 8 : i32
    %mul3A_22 = vector.broadcast %mul3A_21 : i32 to vector<16xi32>
    %mul3A_23 = arith.muli %iota3A, %mul3A_22 : vector<16xi32>
    %add3A_24 = arith.constant 3 : i32
    %add3A_25 = vector.broadcast %add3A_24 : i32 to vector<16xi32>
    %add3A_26 = arith.addi %mul3A_23, %add3A_25 : vector<16xi32>
    %mul3A_27 = arith.constant 8 : i32
    %mul3A_28 = vector.broadcast %mul3A_27 : i32 to vector<16xi32>
    %mul3A_29 = arith.muli %iota3A, %mul3A_28 : vector<16xi32>
    %add3A_30 = arith.constant 4 : i32
    %add3A_31 = vector.broadcast %add3A_30 : i32 to vector<16xi32>
    %add3A_32 = arith.addi %mul3A_29, %add3A_31 : vector<16xi32>
    %mul3A_33 = arith.constant 8 : i32
    %mul3A_34 = vector.broadcast %mul3A_33 : i32 to vector<16xi32>
    %mul3A_35 = arith.muli %iota3A, %mul3A_34 : vector<16xi32>
    %add3A_36 = arith.constant 5 : i32
    %add3A_37 = vector.broadcast %add3A_36 : i32 to vector<16xi32>
    %add3A_38 = arith.addi %mul3A_35, %add3A_37 : vector<16xi32>
    %mul3A_39 = arith.constant 8 : i32
    %mul3A_40 = vector.broadcast %mul3A_39 : i32 to vector<16xi32>
    %mul3A_41 = arith.muli %iota3A, %mul3A_40 : vector<16xi32>
    %add3A_42 = arith.constant 6 : i32
    %add3A_43 = vector.broadcast %add3A_42 : i32 to vector<16xi32>
    %add3A_44 = arith.addi %mul3A_41, %add3A_43 : vector<16xi32>
    %mul3A_45 = arith.constant 8 : i32
    %mul3A_46 = vector.broadcast %mul3A_45 : i32 to vector<16xi32>
    %mul3A_47 = arith.muli %iota3A, %mul3A_46 : vector<16xi32>
    %add3A_48 = arith.constant 7 : i32
    %add3A_49 = vector.broadcast %add3A_48 : i32 to vector<16xi32>
    %add3A_50 = arith.addi %mul3A_47, %add3A_49 : vector<16xi32>
    %mul3A_51 = arith.constant 13 : i32
    %mul3A_52 = vector.broadcast %mul3A_51 : i32 to vector<16xi32>
    %mul3A_53 = arith.muli %iota3A, %mul3A_52 : vector<16xi32>
    %add3A_54 = arith.constant 0 : i32
    %add3A_55 = arith.addi %add3A_54, %mul3A_2 : i32
    %run_scoped3A = arith.constant 0 : i32
    "tpu.region"() ({
      %run_scoped3A_130 = tpu.sem_alloc : memref<!tpu.dma_semaphore, #tpu.memory_space<semaphore_mem>>
      %dma_start3A_131 = arith.constant 0 : i32
      %dma_start3A_132 = tpu.memref_slice %arg6[%run_scoped3A, %dma_start3A_131] : memref<2x128xi32, #tpu.memory_space<vmem>> -> memref<1x128xi32, #tpu.memory_space<vmem>>
      %dma_start3A_133 = tpu.memref_squeeze %dma_start3A_132 : memref<1x128xi32, #tpu.memory_space<vmem>> -> memref<128xi32, #tpu.memory_space<vmem>>
      %dma_start3A_134 = tpu.memref_slice %arg2[%add3A_55] : memref<819200xi32, #tpu.memory_space<hbm>> -> memref<128xi32, #tpu.memory_space<hbm>>
      %dma_start3A_135 = arith.constant 0 : i32
      %dma_start3A_136 = tpu.memref_slice %arg6[%run_scoped3A, %dma_start3A_135] : memref<2x128xi32, #tpu.memory_space<vmem>> -> memref<1x128xi32, #tpu.memory_space<vmem>>
      %dma_start3A_137 = tpu.memref_squeeze %dma_start3A_136 : memref<1x128xi32, #tpu.memory_space<vmem>> -> memref<128xi32, #tpu.memory_space<vmem>>
      %dma_start3A_138 = tpu.memref_slice %arg2[%add3A_55] : memref<819200xi32, #tpu.memory_space<hbm>> -> memref<128xi32, #tpu.memory_space<hbm>>
      tpu.enqueue_dma source(%dma_start3A_138 : memref<128xi32, #tpu.memory_space<hbm>>) target(%dma_start3A_137 : memref<128xi32, #tpu.memory_space<vmem>>) target_semaphore(%run_scoped3A_130 : memref<!tpu.dma_semaphore, #tpu.memory_space<semaphore_mem>>)
      %dma_wait3A_139 = arith.constant 0 : i32
      %dma_wait3A_140 = tpu.memref_slice %arg6[%run_scoped3A, %dma_wait3A_139] : memref<2x128xi32, #tpu.memory_space<vmem>> -> memref<1x128xi32, #tpu.memory_space<vmem>>
      %dma_wait3A_141 = tpu.memref_squeeze %dma_wait3A_140 : memref<1x128xi32, #tpu.memory_space<vmem>> -> memref<128xi32, #tpu.memory_space<vmem>>
      %dma_wait3A_142 = tpu.memref_slice %arg2[%add3A_55] : memref<819200xi32, #tpu.memory_space<hbm>> -> memref<128xi32, #tpu.memory_space<hbm>>
      %dma_wait3A_143 = arith.constant 0 : i32
      %dma_wait3A_144 = tpu.memref_slice %arg6[%run_scoped3A, %dma_wait3A_143] : memref<2x128xi32, #tpu.memory_space<vmem>> -> memref<1x128xi32, #tpu.memory_space<vmem>>
      %dma_wait3A_145 = tpu.memref_squeeze %dma_wait3A_144 : memref<1x128xi32, #tpu.memory_space<vmem>> -> memref<128xi32, #tpu.memory_space<vmem>>
      %dma_wait3A_146 = tpu.memref_slice %arg2[%add3A_55] : memref<819200xi32, #tpu.memory_space<hbm>> -> memref<128xi32, #tpu.memory_space<hbm>>
      tpu.wait_dma2 semaphore(%run_scoped3A_130 : memref<!tpu.dma_semaphore, #tpu.memory_space<semaphore_mem>>) src(%dma_wait3A_146 : memref<128xi32, #tpu.memory_space<hbm>>) dst(%dma_wait3A_145 : memref<128xi32, #tpu.memory_space<vmem>>)
      tpu.yield
    }) : () -> ()
    %dma_start3A = arith.constant 0 : i32
    %dma_start3A_56 = arith.constant 0 : i32
    %dma_start3A_57 = arith.constant 0 : i32
    %dma_start3A_58 = arith.constant 0 : i32
    %dma_start3A_59 = arith.constant 0 : i32
    %dma_start3A_60 = tpu.memref_slice %arg7[%dma_start3A_56, %dma_start3A_58, %dma_start3A_59] : memref<2x128x128xf32, #tpu.memory_space<vmem>> -> memref<1x128x128xf32, #tpu.memory_space<vmem>>
    %dma_start3A_61 = tpu.memref_squeeze %dma_start3A_60 : memref<1x128x128xf32, #tpu.memory_space<vmem>> -> memref<128x128xf32, #tpu.memory_space<vmem>>
    %dma_start3A_62 = arith.constant 0 : i32
    %dma_start3A_63 = tpu.memref_slice %arg6[%dma_start3A, %dma_start3A_62] : memref<2x128xi32, #tpu.memory_space<vmem>> -> memref<1x128xi32, #tpu.memory_space<vmem>>
    %dma_start3A_64 = tpu.memref_squeeze %dma_start3A_63 : memref<1x128xi32, #tpu.memory_space<vmem>> -> memref<128xi32, #tpu.memory_space<vmem>>
    %dma_start3A_65 = arith.constant 0 : i32
    %dma_start3A_66 = arith.constant 0 : i32
    %dma_start3A_67 = tpu.memref_slice %arg3[%dma_start3A_65, %dma_start3A_66] : memref<100000x128xf32, #tpu.memory_space<hbm>> -> memref<100000x128xf32, #tpu.memory_space<hbm>>
    %dma_start3A_68 = tpu.memref_slice %arg10[%dma_start3A_57] : memref<2x!tpu.dma_semaphore, #tpu.memory_space<semaphore_mem>> -> memref<1x!tpu.dma_semaphore, #tpu.memory_space<semaphore_mem>>
    %dma_start3A_69 = tpu.memref_squeeze %dma_start3A_68 : memref<1x!tpu.dma_semaphore, #tpu.memory_space<semaphore_mem>> -> memref<!tpu.dma_semaphore, #tpu.memory_space<semaphore_mem>>
    tpu.enqueue_indirect_dma source(%dma_start3A_67 : memref<100000x128xf32, #tpu.memory_space<hbm>>) target(%dma_start3A_61 : memref<128x128xf32, #tpu.memory_space<vmem>>) offsets(%dma_start3A_64 : memref<128xi32, #tpu.memory_space<vmem>>) semaphore(%dma_start3A_69 : memref<!tpu.dma_semaphore, #tpu.memory_space<semaphore_mem>>)
    %add3A_70 = arith.constant 4096 : i32
    %add3A_71 = arith.addi %add3A_70, %mul3A_2 : i32
    %run_scoped3A_72 = arith.constant 1 : i32
    "tpu.region"() ({
      %run_scoped3A_130 = tpu.sem_alloc : memref<!tpu.dma_semaphore, #tpu.memory_space<semaphore_mem>>
      %dma_start3A_131 = arith.constant 0 : i32
      %dma_start3A_132 = tpu.memref_slice %arg6[%run_scoped3A_72, %dma_start3A_131] : memref<2x128xi32, #tpu.memory_space<vmem>> -> memref<1x128xi32, #tpu.memory_space<vmem>>
      %dma_start3A_133 = tpu.memref_squeeze %dma_start3A_132 : memref<1x128xi32, #tpu.memory_space<vmem>> -> memref<128xi32, #tpu.memory_space<vmem>>
      %dma_start3A_134 = tpu.memref_slice %arg2[%add3A_71] : memref<819200xi32, #tpu.memory_space<hbm>> -> memref<128xi32, #tpu.memory_space<hbm>>
      %dma_start3A_135 = arith.constant 0 : i32
      %dma_start3A_136 = tpu.memref_slice %arg6[%run_scoped3A_72, %dma_start3A_135] : memref<2x128xi32, #tpu.memory_space<vmem>> -> memref<1x128xi32, #tpu.memory_space<vmem>>
      %dma_start3A_137 = tpu.memref_squeeze %dma_start3A_136 : memref<1x128xi32, #tpu.memory_space<vmem>> -> memref<128xi32, #tpu.memory_space<vmem>>
      %dma_start3A_138 = tpu.memref_slice %arg2[%add3A_71] : memref<819200xi32, #tpu.memory_space<hbm>> -> memref<128xi32, #tpu.memory_space<hbm>>
      tpu.enqueue_dma source(%dma_start3A_138 : memref<128xi32, #tpu.memory_space<hbm>>) target(%dma_start3A_137 : memref<128xi32, #tpu.memory_space<vmem>>) target_semaphore(%run_scoped3A_130 : memref<!tpu.dma_semaphore, #tpu.memory_space<semaphore_mem>>)
      %dma_wait3A_139 = arith.constant 0 : i32
      %dma_wait3A_140 = tpu.memref_slice %arg6[%run_scoped3A_72, %dma_wait3A_139] : memref<2x128xi32, #tpu.memory_space<vmem>> -> memref<1x128xi32, #tpu.memory_space<vmem>>
      %dma_wait3A_141 = tpu.memref_squeeze %dma_wait3A_140 : memref<1x128xi32, #tpu.memory_space<vmem>> -> memref<128xi32, #tpu.memory_space<vmem>>
      %dma_wait3A_142 = tpu.memref_slice %arg2[%add3A_71] : memref<819200xi32, #tpu.memory_space<hbm>> -> memref<128xi32, #tpu.memory_space<hbm>>
      %dma_wait3A_143 = arith.constant 0 : i32
      %dma_wait3A_144 = tpu.memref_slice %arg6[%run_scoped3A_72, %dma_wait3A_143] : memref<2x128xi32, #tpu.memory_space<vmem>> -> memref<1x128xi32, #tpu.memory_space<vmem>>
      %dma_wait3A_145 = tpu.memref_squeeze %dma_wait3A_144 : memref<1x128xi32, #tpu.memory_space<vmem>> -> memref<128xi32, #tpu.memory_space<vmem>>
      %dma_wait3A_146 = tpu.memref_slice %arg2[%add3A_71] : memref<819200xi32, #tpu.memory_space<hbm>> -> memref<128xi32, #tpu.memory_space<hbm>>
      tpu.wait_dma2 semaphore(%run_scoped3A_130 : memref<!tpu.dma_semaphore, #tpu.memory_space<semaphore_mem>>) src(%dma_wait3A_146 : memref<128xi32, #tpu.memory_space<hbm>>) dst(%dma_wait3A_145 : memref<128xi32, #tpu.memory_space<vmem>>)
      tpu.yield
    }) : () -> ()
    %dma_start3A_73 = arith.constant 1 : i32
    %dma_start3A_74 = arith.constant 1 : i32
    %dma_start3A_75 = arith.constant 1 : i32
    %dma_start3A_76 = arith.constant 0 : i32
    %dma_start3A_77 = arith.constant 0 : i32
    %dma_start3A_78 = tpu.memref_slice %arg7[%dma_start3A_74, %dma_start3A_76, %dma_start3A_77] : memref<2x128x128xf32, #tpu.memory_space<vmem>> -> memref<1x128x128xf32, #tpu.memory_space<vmem>>
    %dma_start3A_79 = tpu.memref_squeeze %dma_start3A_78 : memref<1x128x128xf32, #tpu.memory_space<vmem>> -> memref<128x128xf32, #tpu.memory_space<vmem>>
    %dma_start3A_80 = arith.constant 0 : i32
    %dma_start3A_81 = tpu.memref_slice %arg6[%dma_start3A_73, %dma_start3A_80] : memref<2x128xi32, #tpu.memory_space<vmem>> -> memref<1x128xi32, #tpu.memory_space<vmem>>
    %dma_start3A_82 = tpu.memref_squeeze %dma_start3A_81 : memref<1x128xi32, #tpu.memory_space<vmem>> -> memref<128xi32, #tpu.memory_space<vmem>>
    %dma_start3A_83 = arith.constant 0 : i32
    %dma_start3A_84 = arith.constant 0 : i32
    %dma_start3A_85 = tpu.memref_slice %arg3[%dma_start3A_83, %dma_start3A_84] : memref<100000x128xf32, #tpu.memory_space<hbm>> -> memref<100000x128xf32, #tpu.memory_space<hbm>>
    %dma_start3A_86 = tpu.memref_slice %arg10[%dma_start3A_75] : memref<2x!tpu.dma_semaphore, #tpu.memory_space<semaphore_mem>> -> memref<1x!tpu.dma_semaphore, #tpu.memory_space<semaphore_mem>>
    %dma_start3A_87 = tpu.memref_squeeze %dma_start3A_86 : memref<1x!tpu.dma_semaphore, #tpu.memory_space<semaphore_mem>> -> memref<!tpu.dma_semaphore, #tpu.memory_space<semaphore_mem>>
    tpu.enqueue_indirect_dma source(%dma_start3A_85 : memref<100000x128xf32, #tpu.memory_space<hbm>>) target(%dma_start3A_79 : memref<128x128xf32, #tpu.memory_space<vmem>>) offsets(%dma_start3A_82 : memref<128xi32, #tpu.memory_space<vmem>>) semaphore(%dma_start3A_87 : memref<!tpu.dma_semaphore, #tpu.memory_space<semaphore_mem>>)
    %scan3A = arith.constant 0 : i32
    %scan3A_88 = arith.constant 0 : i32
    %scan3A_89 = arith.constant 100 : i32
    %scan3A_90 = arith.addi %scan3A_88, %scan3A_89 : i32
    %scan3A_91 = arith.constant 1 : i32
    scf.for %scan3A_130 = %scan3A_88 to %scan3A_90 step %scan3A_91  : i32 {
      %mul3A_131 = arith.constant 2 : i32
      %mul3A_132 = arith.muli %mul3A_131, %scan3A_130 : i32
      %add3A_133 = arith.constant 0 : i32
      %add3A_134 = arith.addi %mul3A_132, %add3A_133 : i32
      %dma_wait3A_135 = arith.constant 0 : i32
      %dma_wait3A_136 = arith.constant 0 : i32
      %dma_wait3A_137 = arith.constant 0 : i32
      %dma_wait3A_138 = arith.constant 0 : i32
      %dma_wait3A_139 = arith.constant 0 : i32
      %dma_wait3A_140 = tpu.memref_slice %arg7[%dma_wait3A_136, %dma_wait3A_138, %dma_wait3A_139] : memref<2x128x128xf32, #tpu.memory_space<vmem>> -> memref<1x128x128xf32, #tpu.memory_space<vmem>>
      %dma_wait3A_141 = tpu.memref_squeeze %dma_wait3A_140 : memref<1x128x128xf32, #tpu.memory_space<vmem>> -> memref<128x128xf32, #tpu.memory_space<vmem>>
      %dma_wait3A_142 = arith.constant 0 : i32
      %dma_wait3A_143 = tpu.memref_slice %arg6[%dma_wait3A_135, %dma_wait3A_142] : memref<2x128xi32, #tpu.memory_space<vmem>> -> memref<1x128xi32, #tpu.memory_space<vmem>>
      %dma_wait3A_144 = tpu.memref_squeeze %dma_wait3A_143 : memref<1x128xi32, #tpu.memory_space<vmem>> -> memref<128xi32, #tpu.memory_space<vmem>>
      %dma_wait3A_145 = arith.constant 0 : i32
      %dma_wait3A_146 = arith.constant 0 : i32
      %dma_wait3A_147 = tpu.memref_slice %arg3[%dma_wait3A_145, %dma_wait3A_146] : memref<100000x128xf32, #tpu.memory_space<hbm>> -> memref<100000x128xf32, #tpu.memory_space<hbm>>
      %dma_wait3A_148 = tpu.memref_slice %arg10[%dma_wait3A_137] : memref<2x!tpu.dma_semaphore, #tpu.memory_space<semaphore_mem>> -> memref<1x!tpu.dma_semaphore, #tpu.memory_space<semaphore_mem>>
      %dma_wait3A_149 = tpu.memref_squeeze %dma_wait3A_148 : memref<1x!tpu.dma_semaphore, #tpu.memory_space<semaphore_mem>> -> memref<!tpu.dma_semaphore, #tpu.memory_space<semaphore_mem>>
      tpu.wait_indirect_dma semaphore(%dma_wait3A_149 : memref<!tpu.dma_semaphore, #tpu.memory_space<semaphore_mem>>) src(%dma_wait3A_147 : memref<100000x128xf32, #tpu.memory_space<hbm>>) dst(%dma_wait3A_141 : memref<128x128xf32, #tpu.memory_space<vmem>>)
      %ge3A = arith.constant 1 : i32
      %ge3A_150 = arith.cmpi sge, %scan3A_130, %ge3A : i32
      %convert_element_type3A = arith.extui %ge3A_150 : i1 to i32
      %cond3A = arith.constant 0 : i32
      %cond3A_151 = arith.cmpi ne, %convert_element_type3A, %cond3A : i32
      scf.if %cond3A_151 {
        %sub3A = arith.constant 2 : i32
        %sub3A_233 = arith.subi %add3A_134, %sub3A : i32
        %dma_wait3A_234 = arith.constant 0 : i32
        %dma_wait3A_235 = arith.constant 0 : i32
        %dma_wait3A_236 = arith.constant 0 : i32
        %dma_wait3A_237 = arith.constant 0 : i32
        %dma_wait3A_238 = tpu.memref_slice %arg8[%dma_wait3A_234, %dma_wait3A_236, %dma_wait3A_237] : memref<2x64x128xf32, #tpu.memory_space<vmem>> -> memref<1x64x128xf32, #tpu.memory_space<vmem>>
        %dma_wait3A_239 = tpu.memref_squeeze %dma_wait3A_238 : memref<1x64x128xf32, #tpu.memory_space<vmem>> -> memref<64x128xf32, #tpu.memory_space<vmem>>
        %dma_wait3A_240 = arith.constant 0 : i32
        %dma_wait3A_241 = tpu.memref_slice %arg5[%sub3A_233, %dma_wait3A_240, %mul3A_2] : memref<200x64x4096xf32, #tpu.memory_space<hbm>> -> memref<1x64x128xf32, #tpu.memory_space<hbm>>
        %dma_wait3A_242 = tpu.memref_squeeze %dma_wait3A_241 : memref<1x64x128xf32, #tpu.memory_space<hbm>> -> memref<64x128xf32, #tpu.memory_space<hbm>>
        %dma_wait3A_243 = tpu.memref_slice %arg11[%dma_wait3A_235] : memref<2x!tpu.dma_semaphore, #tpu.memory_space<semaphore_mem>> -> memref<1x!tpu.dma_semaphore, #tpu.memory_space<semaphore_mem>>
        %dma_wait3A_244 = tpu.memref_squeeze %dma_wait3A_243 : memref<1x!tpu.dma_semaphore, #tpu.memory_space<semaphore_mem>> -> memref<!tpu.dma_semaphore, #tpu.memory_space<semaphore_mem>>
        %dma_wait3A_245 = arith.constant 0 : i32
        %dma_wait3A_246 = tpu.memref_slice %arg5[%sub3A_233, %dma_wait3A_245, %mul3A_2] : memref<200x64x4096xf32, #tpu.memory_space<hbm>> -> memref<1x64x128xf32, #tpu.memory_space<hbm>>
        %dma_wait3A_247 = tpu.memref_squeeze %dma_wait3A_246 : memref<1x64x128xf32, #tpu.memory_space<hbm>> -> memref<64x128xf32, #tpu.memory_space<hbm>>
        %dma_wait3A_248 = arith.constant 0 : i32
        %dma_wait3A_249 = arith.constant 0 : i32
        %dma_wait3A_250 = tpu.memref_slice %arg8[%dma_wait3A_234, %dma_wait3A_248, %dma_wait3A_249] : memref<2x64x128xf32, #tpu.memory_space<vmem>> -> memref<1x64x128xf32, #tpu.memory_space<vmem>>
        %dma_wait3A_251 = tpu.memref_squeeze %dma_wait3A_250 : memref<1x64x128xf32, #tpu.memory_space<vmem>> -> memref<64x128xf32, #tpu.memory_space<vmem>>
        tpu.wait_dma2 semaphore(%dma_wait3A_244 : memref<!tpu.dma_semaphore, #tpu.memory_space<semaphore_mem>>) src(%dma_wait3A_251 : memref<64x128xf32, #tpu.memory_space<vmem>>) dst(%dma_wait3A_247 : memref<64x128xf32, #tpu.memory_space<hbm>>)
      } else {
      }
      %broadcast_in_dim3A = arith.constant 0 : i32
      %broadcast_in_dim3A_152 = vector.broadcast %broadcast_in_dim3A : i32 to vector<16xi32>
      %add3A_153 = vector.broadcast %add3A_134 : i32 to vector<16xi32>
      %add3A_154 = arith.addi %broadcast_in_dim3A_152, %add3A_153 : vector<16xi32>
      %parallel_loop3A = arith.constant 0 : i32
      %parallel_loop3A_155 = arith.constant 64 : i32
      %parallel_loop3A_156 = arith.constant 1 : i32
      scf.for %parallel_loop3A_233 = %parallel_loop3A to %parallel_loop3A_155 step %parallel_loop3A_156  : i32 {
        %parallel_loop3A_234 = vector.broadcast %parallel_loop3A_233 : i32 to vector<16xi32>
        %parallel_loop3A_235 = arith.addi %mul3A_53, %parallel_loop3A_234 : vector<16xi32>
        %parallel_loop3A_236 = arith.constant 63 : i32
        %parallel_loop3A_237 = vector.broadcast %parallel_loop3A_236 : i32 to vector<16xi32>
        %parallel_loop3A_238 = arith.andi %parallel_loop3A_235, %parallel_loop3A_237 : vector<16xi32>
        %parallel_loop3A_239 = tpu.vector_load_idx %arg9[%add3A_154, %parallel_loop3A_238] : memref<200x128xf32, #tpu.memory_space<vmem>>[vector<16xi32>, vector<16xi32>], vector<16xf32>,
        %parallel_loop3A_240 = arith.constant 0 : i32
        %parallel_loop3A_241 = arith.constant 0 : i32
        %parallel_loop3A_242 = arith.constant 0 : i32
        %parallel_loop3A_243 = tpu.memref_slice %arg7[%parallel_loop3A_240, %parallel_loop3A_241, %parallel_loop3A_242] : memref<2x128x128xf32, #tpu.memory_space<vmem>> -> memref<1x128x128xf32, #tpu.memory_space<vmem>>
        %parallel_loop3A_244 = tpu.memref_squeeze %parallel_loop3A_243 : memref<1x128x128xf32, #tpu.memory_space<vmem>> -> memref<128x128xf32, #tpu.memory_space<vmem>>
        %parallel_loop3A_245 = tpu.vector_load_idx %parallel_loop3A_244[%add3A_8, %parallel_loop3A_238] : memref<128x128xf32, #tpu.memory_space<vmem>>[vector<16xi32>, vector<16xi32>], vector<16xf32>,
        %parallel_loop3A_246 = arith.addf %parallel_loop3A_245, %parallel_loop3A_239 : vector<16xf32>
        %parallel_loop3A_247 = arith.constant 0 : i32
        %parallel_loop3A_248 = arith.constant 0 : i32
        %parallel_loop3A_249 = arith.constant 0 : i32
        %parallel_loop3A_250 = tpu.memref_slice %arg8[%parallel_loop3A_247, %parallel_loop3A_248, %parallel_loop3A_249] : memref<2x64x128xf32, #tpu.memory_space<vmem>> -> memref<1x64x128xf32, #tpu.memory_space<vmem>>
        %parallel_loop3A_251 = tpu.memref_squeeze %parallel_loop3A_250 : memref<1x64x128xf32, #tpu.memory_space<vmem>> -> memref<64x128xf32, #tpu.memory_space<vmem>>
        tpu.vector_store_idx %parallel_loop3A_251[%parallel_loop3A_238, %add3A_8], %parallel_loop3A_246 : memref<64x128xf32, #tpu.memory_space<vmem>>[vector<16xi32>, vector<16xi32>], vector<16xf32>,
        %parallel_loop3A_252 = arith.constant 0 : i32
        %parallel_loop3A_253 = arith.constant 0 : i32
        %parallel_loop3A_254 = arith.constant 0 : i32
        %parallel_loop3A_255 = tpu.memref_slice %arg7[%parallel_loop3A_252, %parallel_loop3A_253, %parallel_loop3A_254] : memref<2x128x128xf32, #tpu.memory_space<vmem>> -> memref<1x128x128xf32, #tpu.memory_space<vmem>>
        %parallel_loop3A_256 = tpu.memref_squeeze %parallel_loop3A_255 : memref<1x128x128xf32, #tpu.memory_space<vmem>> -> memref<128x128xf32, #tpu.memory_space<vmem>>
        %parallel_loop3A_257 = tpu.vector_load_idx %parallel_loop3A_256[%add3A_14, %parallel_loop3A_238] : memref<128x128xf32, #tpu.memory_space<vmem>>[vector<16xi32>, vector<16xi32>], vector<16xf32>,
        %parallel_loop3A_258 = arith.addf %parallel_loop3A_257, %parallel_loop3A_239 : vector<16xf32>
        %parallel_loop3A_259 = arith.constant 0 : i32
        %parallel_loop3A_260 = arith.constant 0 : i32
        %parallel_loop3A_261 = arith.constant 0 : i32
        %parallel_loop3A_262 = tpu.memref_slice %arg8[%parallel_loop3A_259, %parallel_loop3A_260, %parallel_loop3A_261] : memref<2x64x128xf32, #tpu.memory_space<vmem>> -> memref<1x64x128xf32, #tpu.memory_space<vmem>>
        %parallel_loop3A_263 = tpu.memref_squeeze %parallel_loop3A_262 : memref<1x64x128xf32, #tpu.memory_space<vmem>> -> memref<64x128xf32, #tpu.memory_space<vmem>>
        tpu.vector_store_idx %parallel_loop3A_263[%parallel_loop3A_238, %add3A_14], %parallel_loop3A_258 : memref<64x128xf32, #tpu.memory_space<vmem>>[vector<16xi32>, vector<16xi32>], vector<16xf32>,
        %parallel_loop3A_264 = arith.constant 0 : i32
        %parallel_loop3A_265 = arith.constant 0 : i32
        %parallel_loop3A_266 = arith.constant 0 : i32
        %parallel_loop3A_267 = tpu.memref_slice %arg7[%parallel_loop3A_264, %parallel_loop3A_265, %parallel_loop3A_266] : memref<2x128x128xf32, #tpu.memory_space<vmem>> -> memref<1x128x128xf32, #tpu.memory_space<vmem>>
        %parallel_loop3A_268 = tpu.memref_squeeze %parallel_loop3A_267 : memref<1x128x128xf32, #tpu.memory_space<vmem>> -> memref<128x128xf32, #tpu.memory_space<vmem>>
        %parallel_loop3A_269 = tpu.vector_load_idx %parallel_loop3A_268[%add3A_20, %parallel_loop3A_238] : memref<128x128xf32, #tpu.memory_space<vmem>>[vector<16xi32>, vector<16xi32>], vector<16xf32>,
        %parallel_loop3A_270 = arith.addf %parallel_loop3A_269, %parallel_loop3A_239 : vector<16xf32>
        %parallel_loop3A_271 = arith.constant 0 : i32
        %parallel_loop3A_272 = arith.constant 0 : i32
        %parallel_loop3A_273 = arith.constant 0 : i32
        %parallel_loop3A_274 = tpu.memref_slice %arg8[%parallel_loop3A_271, %parallel_loop3A_272, %parallel_loop3A_273] : memref<2x64x128xf32, #tpu.memory_space<vmem>> -> memref<1x64x128xf32, #tpu.memory_space<vmem>>
        %parallel_loop3A_275 = tpu.memref_squeeze %parallel_loop3A_274 : memref<1x64x128xf32, #tpu.memory_space<vmem>> -> memref<64x128xf32, #tpu.memory_space<vmem>>
        tpu.vector_store_idx %parallel_loop3A_275[%parallel_loop3A_238, %add3A_20], %parallel_loop3A_270 : memref<64x128xf32, #tpu.memory_space<vmem>>[vector<16xi32>, vector<16xi32>], vector<16xf32>,
        %parallel_loop3A_276 = arith.constant 0 : i32
        %parallel_loop3A_277 = arith.constant 0 : i32
        %parallel_loop3A_278 = arith.constant 0 : i32
        %parallel_loop3A_279 = tpu.memref_slice %arg7[%parallel_loop3A_276, %parallel_loop3A_277, %parallel_loop3A_278] : memref<2x128x128xf32, #tpu.memory_space<vmem>> -> memref<1x128x128xf32, #tpu.memory_space<vmem>>
        %parallel_loop3A_280 = tpu.memref_squeeze %parallel_loop3A_279 : memref<1x128x128xf32, #tpu.memory_space<vmem>> -> memref<128x128xf32, #tpu.memory_space<vmem>>
        %parallel_loop3A_281 = tpu.vector_load_idx %parallel_loop3A_280[%add3A_26, %parallel_loop3A_238] : memref<128x128xf32, #tpu.memory_space<vmem>>[vector<16xi32>, vector<16xi32>], vector<16xf32>,
        %parallel_loop3A_282 = arith.addf %parallel_loop3A_281, %parallel_loop3A_239 : vector<16xf32>
        %parallel_loop3A_283 = arith.constant 0 : i32
        %parallel_loop3A_284 = arith.constant 0 : i32
        %parallel_loop3A_285 = arith.constant 0 : i32
        %parallel_loop3A_286 = tpu.memref_slice %arg8[%parallel_loop3A_283, %parallel_loop3A_284, %parallel_loop3A_285] : memref<2x64x128xf32, #tpu.memory_space<vmem>> -> memref<1x64x128xf32, #tpu.memory_space<vmem>>
        %parallel_loop3A_287 = tpu.memref_squeeze %parallel_loop3A_286 : memref<1x64x128xf32, #tpu.memory_space<vmem>> -> memref<64x128xf32, #tpu.memory_space<vmem>>
        tpu.vector_store_idx %parallel_loop3A_287[%parallel_loop3A_238, %add3A_26], %parallel_loop3A_282 : memref<64x128xf32, #tpu.memory_space<vmem>>[vector<16xi32>, vector<16xi32>], vector<16xf32>,
        %parallel_loop3A_288 = arith.constant 0 : i32
        %parallel_loop3A_289 = arith.constant 0 : i32
        %parallel_loop3A_290 = arith.constant 0 : i32
        %parallel_loop3A_291 = tpu.memref_slice %arg7[%parallel_loop3A_288, %parallel_loop3A_289, %parallel_loop3A_290] : memref<2x128x128xf32, #tpu.memory_space<vmem>> -> memref<1x128x128xf32, #tpu.memory_space<vmem>>
        %parallel_loop3A_292 = tpu.memref_squeeze %parallel_loop3A_291 : memref<1x128x128xf32, #tpu.memory_space<vmem>> -> memref<128x128xf32, #tpu.memory_space<vmem>>
        %parallel_loop3A_293 = tpu.vector_load_idx %parallel_loop3A_292[%add3A_32, %parallel_loop3A_238] : memref<128x128xf32, #tpu.memory_space<vmem>>[vector<16xi32>, vector<16xi32>], vector<16xf32>,
        %parallel_loop3A_294 = arith.addf %parallel_loop3A_293, %parallel_loop3A_239 : vector<16xf32>
        %parallel_loop3A_295 = arith.constant 0 : i32
        %parallel_loop3A_296 = arith.constant 0 : i32
        %parallel_loop3A_297 = arith.constant 0 : i32
        %parallel_loop3A_298 = tpu.memref_slice %arg8[%parallel_loop3A_295, %parallel_loop3A_296, %parallel_loop3A_297] : memref<2x64x128xf32, #tpu.memory_space<vmem>> -> memref<1x64x128xf32, #tpu.memory_space<vmem>>
        %parallel_loop3A_299 = tpu.memref_squeeze %parallel_loop3A_298 : memref<1x64x128xf32, #tpu.memory_space<vmem>> -> memref<64x128xf32, #tpu.memory_space<vmem>>
        tpu.vector_store_idx %parallel_loop3A_299[%parallel_loop3A_238, %add3A_32], %parallel_loop3A_294 : memref<64x128xf32, #tpu.memory_space<vmem>>[vector<16xi32>, vector<16xi32>], vector<16xf32>,
        %parallel_loop3A_300 = arith.constant 0 : i32
        %parallel_loop3A_301 = arith.constant 0 : i32
        %parallel_loop3A_302 = arith.constant 0 : i32
        %parallel_loop3A_303 = tpu.memref_slice %arg7[%parallel_loop3A_300, %parallel_loop3A_301, %parallel_loop3A_302] : memref<2x128x128xf32, #tpu.memory_space<vmem>> -> memref<1x128x128xf32, #tpu.memory_space<vmem>>
        %parallel_loop3A_304 = tpu.memref_squeeze %parallel_loop3A_303 : memref<1x128x128xf32, #tpu.memory_space<vmem>> -> memref<128x128xf32, #tpu.memory_space<vmem>>
        %parallel_loop3A_305 = tpu.vector_load_idx %parallel_loop3A_304[%add3A_38, %parallel_loop3A_238] : memref<128x128xf32, #tpu.memory_space<vmem>>[vector<16xi32>, vector<16xi32>], vector<16xf32>,
        %parallel_loop3A_306 = arith.addf %parallel_loop3A_305, %parallel_loop3A_239 : vector<16xf32>
        %parallel_loop3A_307 = arith.constant 0 : i32
        %parallel_loop3A_308 = arith.constant 0 : i32
        %parallel_loop3A_309 = arith.constant 0 : i32
        %parallel_loop3A_310 = tpu.memref_slice %arg8[%parallel_loop3A_307, %parallel_loop3A_308, %parallel_loop3A_309] : memref<2x64x128xf32, #tpu.memory_space<vmem>> -> memref<1x64x128xf32, #tpu.memory_space<vmem>>
        %parallel_loop3A_311 = tpu.memref_squeeze %parallel_loop3A_310 : memref<1x64x128xf32, #tpu.memory_space<vmem>> -> memref<64x128xf32, #tpu.memory_space<vmem>>
        tpu.vector_store_idx %parallel_loop3A_311[%parallel_loop3A_238, %add3A_38], %parallel_loop3A_306 : memref<64x128xf32, #tpu.memory_space<vmem>>[vector<16xi32>, vector<16xi32>], vector<16xf32>,
        %parallel_loop3A_312 = arith.constant 0 : i32
        %parallel_loop3A_313 = arith.constant 0 : i32
        %parallel_loop3A_314 = arith.constant 0 : i32
        %parallel_loop3A_315 = tpu.memref_slice %arg7[%parallel_loop3A_312, %parallel_loop3A_313, %parallel_loop3A_314] : memref<2x128x128xf32, #tpu.memory_space<vmem>> -> memref<1x128x128xf32, #tpu.memory_space<vmem>>
        %parallel_loop3A_316 = tpu.memref_squeeze %parallel_loop3A_315 : memref<1x128x128xf32, #tpu.memory_space<vmem>> -> memref<128x128xf32, #tpu.memory_space<vmem>>
        %parallel_loop3A_317 = tpu.vector_load_idx %parallel_loop3A_316[%add3A_44, %parallel_loop3A_238] : memref<128x128xf32, #tpu.memory_space<vmem>>[vector<16xi32>, vector<16xi32>], vector<16xf32>,
        %parallel_loop3A_318 = arith.addf %parallel_loop3A_317, %parallel_loop3A_239 : vector<16xf32>
        %parallel_loop3A_319 = arith.constant 0 : i32
        %parallel_loop3A_320 = arith.constant 0 : i32
        %parallel_loop3A_321 = arith.constant 0 : i32
        %parallel_loop3A_322 = tpu.memref_slice %arg8[%parallel_loop3A_319, %parallel_loop3A_320, %parallel_loop3A_321] : memref<2x64x128xf32, #tpu.memory_space<vmem>> -> memref<1x64x128xf32, #tpu.memory_space<vmem>>
        %parallel_loop3A_323 = tpu.memref_squeeze %parallel_loop3A_322 : memref<1x64x128xf32, #tpu.memory_space<vmem>> -> memref<64x128xf32, #tpu.memory_space<vmem>>
        tpu.vector_store_idx %parallel_loop3A_323[%parallel_loop3A_238, %add3A_44], %parallel_loop3A_318 : memref<64x128xf32, #tpu.memory_space<vmem>>[vector<16xi32>, vector<16xi32>], vector<16xf32>,
        %parallel_loop3A_324 = arith.constant 0 : i32
        %parallel_loop3A_325 = arith.constant 0 : i32
        %parallel_loop3A_326 = arith.constant 0 : i32
        %parallel_loop3A_327 = tpu.memref_slice %arg7[%parallel_loop3A_324, %parallel_loop3A_325, %parallel_loop3A_326] : memref<2x128x128xf32, #tpu.memory_space<vmem>> -> memref<1x128x128xf32, #tpu.memory_space<vmem>>
        %parallel_loop3A_328 = tpu.memref_squeeze %parallel_loop3A_327 : memref<1x128x128xf32, #tpu.memory_space<vmem>> -> memref<128x128xf32, #tpu.memory_space<vmem>>
        %parallel_loop3A_329 = tpu.vector_load_idx %parallel_loop3A_328[%add3A_50, %parallel_loop3A_238] : memref<128x128xf32, #tpu.memory_space<vmem>>[vector<16xi32>, vector<16xi32>], vector<16xf32>,
        %parallel_loop3A_330 = arith.addf %parallel_loop3A_329, %parallel_loop3A_239 : vector<16xf32>
        %parallel_loop3A_331 = arith.constant 0 : i32
        %parallel_loop3A_332 = arith.constant 0 : i32
        %parallel_loop3A_333 = arith.constant 0 : i32
        %parallel_loop3A_334 = tpu.memref_slice %arg8[%parallel_loop3A_331, %parallel_loop3A_332, %parallel_loop3A_333] : memref<2x64x128xf32, #tpu.memory_space<vmem>> -> memref<1x64x128xf32, #tpu.memory_space<vmem>>
        %parallel_loop3A_335 = tpu.memref_squeeze %parallel_loop3A_334 : memref<1x64x128xf32, #tpu.memory_space<vmem>> -> memref<64x128xf32, #tpu.memory_space<vmem>>
        tpu.vector_store_idx %parallel_loop3A_335[%parallel_loop3A_238, %add3A_50], %parallel_loop3A_330 : memref<64x128xf32, #tpu.memory_space<vmem>>[vector<16xi32>, vector<16xi32>], vector<16xf32>,
      } {sc.loop_unroll_factor = 4 : i64, sc.parallel_access}
      %dma_start3A_157 = arith.constant 0 : i32
      %dma_start3A_158 = arith.constant 0 : i32
      %dma_start3A_159 = arith.constant 0 : i32
      %dma_start3A_160 = arith.constant 0 : i32
      %dma_start3A_161 = tpu.memref_slice %arg8[%dma_start3A_157, %dma_start3A_159, %dma_start3A_160] : memref<2x64x128xf32, #tpu.memory_space<vmem>> -> memref<1x64x128xf32, #tpu.memory_space<vmem>>
      %dma_start3A_162 = tpu.memref_squeeze %dma_start3A_161 : memref<1x64x128xf32, #tpu.memory_space<vmem>> -> memref<64x128xf32, #tpu.memory_space<vmem>>
      %dma_start3A_163 = arith.constant 0 : i32
      %dma_start3A_164 = tpu.memref_slice %arg5[%add3A_134, %dma_start3A_163, %mul3A_2] : memref<200x64x4096xf32, #tpu.memory_space<hbm>> -> memref<1x64x128xf32, #tpu.memory_space<hbm>>
      %dma_start3A_165 = tpu.memref_squeeze %dma_start3A_164 : memref<1x64x128xf32, #tpu.memory_space<hbm>> -> memref<64x128xf32, #tpu.memory_space<hbm>>
      %dma_start3A_166 = tpu.memref_slice %arg11[%dma_start3A_158] : memref<2x!tpu.dma_semaphore, #tpu.memory_space<semaphore_mem>> -> memref<1x!tpu.dma_semaphore, #tpu.memory_space<semaphore_mem>>
      %dma_start3A_167 = tpu.memref_squeeze %dma_start3A_166 : memref<1x!tpu.dma_semaphore, #tpu.memory_space<semaphore_mem>> -> memref<!tpu.dma_semaphore, #tpu.memory_space<semaphore_mem>>
      %dma_start3A_168 = arith.constant 0 : i32
      %dma_start3A_169 = tpu.memref_slice %arg5[%add3A_134, %dma_start3A_168, %mul3A_2] : memref<200x64x4096xf32, #tpu.memory_space<hbm>> -> memref<1x64x128xf32, #tpu.memory_space<hbm>>
      %dma_start3A_170 = tpu.memref_squeeze %dma_start3A_169 : memref<1x64x128xf32, #tpu.memory_space<hbm>> -> memref<64x128xf32, #tpu.memory_space<hbm>>
      %dma_start3A_171 = arith.constant 0 : i32
      %dma_start3A_172 = arith.constant 0 : i32
      %dma_start3A_173 = tpu.memref_slice %arg8[%dma_start3A_157, %dma_start3A_171, %dma_start3A_172] : memref<2x64x128xf32, #tpu.memory_space<vmem>> -> memref<1x64x128xf32, #tpu.memory_space<vmem>>
      %dma_start3A_174 = tpu.memref_squeeze %dma_start3A_173 : memref<1x64x128xf32, #tpu.memory_space<vmem>> -> memref<64x128xf32, #tpu.memory_space<vmem>>
      tpu.enqueue_dma source(%dma_start3A_174 : memref<64x128xf32, #tpu.memory_space<vmem>>) target(%dma_start3A_170 : memref<64x128xf32, #tpu.memory_space<hbm>>) target_semaphore(%dma_start3A_167 : memref<!tpu.dma_semaphore, #tpu.memory_space<semaphore_mem>>)
      %lt3A = arith.constant 99 : i32
      %lt3A_175 = arith.cmpi slt, %scan3A_130, %lt3A : i32
      %convert_element_type3A_176 = arith.extui %lt3A_175 : i1 to i32
      %cond3A_177 = arith.constant 0 : i32
      %cond3A_178 = arith.cmpi ne, %convert_element_type3A_176, %cond3A_177 : i32
      scf.if %cond3A_178 {
        %add3A_233 = arith.constant 2 : i32
        %add3A_234 = arith.addi %add3A_134, %add3A_233 : i32
        %mul3A_235 = arith.constant 4096 : i32
        %mul3A_236 = arith.muli %add3A_234, %mul3A_235 : i32
        %add3A_237 = arith.addi %mul3A_236, %mul3A_2 : i32
        %run_scoped3A_238 = arith.constant 0 : i32
        "tpu.region"() ({
          %run_scoped3A_254 = tpu.sem_alloc : memref<!tpu.dma_semaphore, #tpu.memory_space<semaphore_mem>>
          %dma_start3A_255 = arith.constant 0 : i32
          %dma_start3A_256 = tpu.memref_slice %arg6[%run_scoped3A_238, %dma_start3A_255] : memref<2x128xi32, #tpu.memory_space<vmem>> -> memref<1x128xi32, #tpu.memory_space<vmem>>
          %dma_start3A_257 = tpu.memref_squeeze %dma_start3A_256 : memref<1x128xi32, #tpu.memory_space<vmem>> -> memref<128xi32, #tpu.memory_space<vmem>>
          %dma_start3A_258 = tpu.memref_slice %arg2[%add3A_237] : memref<819200xi32, #tpu.memory_space<hbm>> -> memref<128xi32, #tpu.memory_space<hbm>>
          %dma_start3A_259 = arith.constant 0 : i32
          %dma_start3A_260 = tpu.memref_slice %arg6[%run_scoped3A_238, %dma_start3A_259] : memref<2x128xi32, #tpu.memory_space<vmem>> -> memref<1x128xi32, #tpu.memory_space<vmem>>
          %dma_start3A_261 = tpu.memref_squeeze %dma_start3A_260 : memref<1x128xi32, #tpu.memory_space<vmem>> -> memref<128xi32, #tpu.memory_space<vmem>>
          %dma_start3A_262 = tpu.memref_slice %arg2[%add3A_237] : memref<819200xi32, #tpu.memory_space<hbm>> -> memref<128xi32, #tpu.memory_space<hbm>>
          tpu.enqueue_dma source(%dma_start3A_262 : memref<128xi32, #tpu.memory_space<hbm>>) target(%dma_start3A_261 : memref<128xi32, #tpu.memory_space<vmem>>) target_semaphore(%run_scoped3A_254 : memref<!tpu.dma_semaphore, #tpu.memory_space<semaphore_mem>>)
          %dma_wait3A_263 = arith.constant 0 : i32
          %dma_wait3A_264 = tpu.memref_slice %arg6[%run_scoped3A_238, %dma_wait3A_263] : memref<2x128xi32, #tpu.memory_space<vmem>> -> memref<1x128xi32, #tpu.memory_space<vmem>>
          %dma_wait3A_265 = tpu.memref_squeeze %dma_wait3A_264 : memref<1x128xi32, #tpu.memory_space<vmem>> -> memref<128xi32, #tpu.memory_space<vmem>>
          %dma_wait3A_266 = tpu.memref_slice %arg2[%add3A_237] : memref<819200xi32, #tpu.memory_space<hbm>> -> memref<128xi32, #tpu.memory_space<hbm>>
          %dma_wait3A_267 = arith.constant 0 : i32
          %dma_wait3A_268 = tpu.memref_slice %arg6[%run_scoped3A_238, %dma_wait3A_267] : memref<2x128xi32, #tpu.memory_space<vmem>> -> memref<1x128xi32, #tpu.memory_space<vmem>>
          %dma_wait3A_269 = tpu.memref_squeeze %dma_wait3A_268 : memref<1x128xi32, #tpu.memory_space<vmem>> -> memref<128xi32, #tpu.memory_space<vmem>>
          %dma_wait3A_270 = tpu.memref_slice %arg2[%add3A_237] : memref<819200xi32, #tpu.memory_space<hbm>> -> memref<128xi32, #tpu.memory_space<hbm>>
          tpu.wait_dma2 semaphore(%run_scoped3A_254 : memref<!tpu.dma_semaphore, #tpu.memory_space<semaphore_mem>>) src(%dma_wait3A_270 : memref<128xi32, #tpu.memory_space<hbm>>) dst(%dma_wait3A_269 : memref<128xi32, #tpu.memory_space<vmem>>)
          tpu.yield
        }) : () -> ()
        %dma_start3A_239 = arith.constant 0 : i32
        %dma_start3A_240 = arith.constant 0 : i32
        %dma_start3A_241 = arith.constant 0 : i32
        %dma_start3A_242 = arith.constant 0 : i32
        %dma_start3A_243 = arith.constant 0 : i32
        %dma_start3A_244 = tpu.memref_slice %arg7[%dma_start3A_240, %dma_start3A_242, %dma_start3A_243] : memref<2x128x128xf32, #tpu.memory_space<vmem>> -> memref<1x128x128xf32, #tpu.memory_space<vmem>>
        %dma_start3A_245 = tpu.memref_squeeze %dma_start3A_244 : memref<1x128x128xf32, #tpu.memory_space<vmem>> -> memref<128x128xf32, #tpu.memory_space<vmem>>
        %dma_start3A_246 = arith.constant 0 : i32
        %dma_start3A_247 = tpu.memref_slice %arg6[%dma_start3A_239, %dma_start3A_246] : memref<2x128xi32, #tpu.memory_space<vmem>> -> memref<1x128xi32, #tpu.memory_space<vmem>>
        %dma_start3A_248 = tpu.memref_squeeze %dma_start3A_247 : memref<1x128xi32, #tpu.memory_space<vmem>> -> memref<128xi32, #tpu.memory_space<vmem>>
        %dma_start3A_249 = arith.constant 0 : i32
        %dma_start3A_250 = arith.constant 0 : i32
        %dma_start3A_251 = tpu.memref_slice %arg3[%dma_start3A_249, %dma_start3A_250] : memref<100000x128xf32, #tpu.memory_space<hbm>> -> memref<100000x128xf32, #tpu.memory_space<hbm>>
        %dma_start3A_252 = tpu.memref_slice %arg10[%dma_start3A_241] : memref<2x!tpu.dma_semaphore, #tpu.memory_space<semaphore_mem>> -> memref<1x!tpu.dma_semaphore, #tpu.memory_space<semaphore_mem>>
        %dma_start3A_253 = tpu.memref_squeeze %dma_start3A_252 : memref<1x!tpu.dma_semaphore, #tpu.memory_space<semaphore_mem>> -> memref<!tpu.dma_semaphore, #tpu.memory_space<semaphore_mem>>
        tpu.enqueue_indirect_dma source(%dma_start3A_251 : memref<100000x128xf32, #tpu.memory_space<hbm>>) target(%dma_start3A_245 : memref<128x128xf32, #tpu.memory_space<vmem>>) offsets(%dma_start3A_248 : memref<128xi32, #tpu.memory_space<vmem>>) semaphore(%dma_start3A_253 : memref<!tpu.dma_semaphore, #tpu.memory_space<semaphore_mem>>)
      } else {
      }
      %mul3A_179 = arith.constant 2 : i32
      %mul3A_180 = arith.muli %mul3A_179, %scan3A_130 : i32
      %add3A_181 = arith.constant 1 : i32
      %add3A_182 = arith.addi %mul3A_180, %add3A_181 : i32
      %dma_wait3A_183 = arith.constant 1 : i32
      %dma_wait3A_184 = arith.constant 1 : i32
      %dma_wait3A_185 = arith.constant 1 : i32
      %dma_wait3A_186 = arith.constant 0 : i32
      %dma_wait3A_187 = arith.constant 0 : i32
      %dma_wait3A_188 = tpu.memref_slice %arg7[%dma_wait3A_184, %dma_wait3A_186, %dma_wait3A_187] : memref<2x128x128xf32, #tpu.memory_space<vmem>> -> memref<1x128x128xf32, #tpu.memory_space<vmem>>
      %dma_wait3A_189 = tpu.memref_squeeze %dma_wait3A_188 : memref<1x128x128xf32, #tpu.memory_space<vmem>> -> memref<128x128xf32, #tpu.memory_space<vmem>>
      %dma_wait3A_190 = arith.constant 0 : i32
      %dma_wait3A_191 = tpu.memref_slice %arg6[%dma_wait3A_183, %dma_wait3A_190] : memref<2x128xi32, #tpu.memory_space<vmem>> -> memref<1x128xi32, #tpu.memory_space<vmem>>
      %dma_wait3A_192 = tpu.memref_squeeze %dma_wait3A_191 : memref<1x128xi32, #tpu.memory_space<vmem>> -> memref<128xi32, #tpu.memory_space<vmem>>
      %dma_wait3A_193 = arith.constant 0 : i32
      %dma_wait3A_194 = arith.constant 0 : i32
      %dma_wait3A_195 = tpu.memref_slice %arg3[%dma_wait3A_193, %dma_wait3A_194] : memref<100000x128xf32, #tpu.memory_space<hbm>> -> memref<100000x128xf32, #tpu.memory_space<hbm>>
      %dma_wait3A_196 = tpu.memref_slice %arg10[%dma_wait3A_185] : memref<2x!tpu.dma_semaphore, #tpu.memory_space<semaphore_mem>> -> memref<1x!tpu.dma_semaphore, #tpu.memory_space<semaphore_mem>>
      %dma_wait3A_197 = tpu.memref_squeeze %dma_wait3A_196 : memref<1x!tpu.dma_semaphore, #tpu.memory_space<semaphore_mem>> -> memref<!tpu.dma_semaphore, #tpu.memory_space<semaphore_mem>>
      tpu.wait_indirect_dma semaphore(%dma_wait3A_197 : memref<!tpu.dma_semaphore, #tpu.memory_space<semaphore_mem>>) src(%dma_wait3A_195 : memref<100000x128xf32, #tpu.memory_space<hbm>>) dst(%dma_wait3A_189 : memref<128x128xf32, #tpu.memory_space<vmem>>)
      %ge3A_198 = arith.constant 1 : i32
      %ge3A_199 = arith.cmpi sge, %scan3A_130, %ge3A_198 : i32
      %convert_element_type3A_200 = arith.extui %ge3A_199 : i1 to i32
      %cond3A_201 = arith.constant 0 : i32
      %cond3A_202 = arith.cmpi ne, %convert_element_type3A_200, %cond3A_201 : i32
      scf.if %cond3A_202 {
        %sub3A = arith.constant 2 : i32
        %sub3A_233 = arith.subi %add3A_182, %sub3A : i32
        %dma_wait3A_234 = arith.constant 1 : i32
        %dma_wait3A_235 = arith.constant 1 : i32
        %dma_wait3A_236 = arith.constant 0 : i32
        %dma_wait3A_237 = arith.constant 0 : i32
        %dma_wait3A_238 = tpu.memref_slice %arg8[%dma_wait3A_234, %dma_wait3A_236, %dma_wait3A_237] : memref<2x64x128xf32, #tpu.memory_space<vmem>> -> memref<1x64x128xf32, #tpu.memory_space<vmem>>
        %dma_wait3A_239 = tpu.memref_squeeze %dma_wait3A_238 : memref<1x64x128xf32, #tpu.memory_space<vmem>> -> memref<64x128xf32, #tpu.memory_space<vmem>>
        %dma_wait3A_240 = arith.constant 0 : i32
        %dma_wait3A_241 = tpu.memref_slice %arg5[%sub3A_233, %dma_wait3A_240, %mul3A_2] : memref<200x64x4096xf32, #tpu.memory_space<hbm>> -> memref<1x64x128xf32, #tpu.memory_space<hbm>>
        %dma_wait3A_242 = tpu.memref_squeeze %dma_wait3A_241 : memref<1x64x128xf32, #tpu.memory_space<hbm>> -> memref<64x128xf32, #tpu.memory_space<hbm>>
        %dma_wait3A_243 = tpu.memref_slice %arg11[%dma_wait3A_235] : memref<2x!tpu.dma_semaphore, #tpu.memory_space<semaphore_mem>> -> memref<1x!tpu.dma_semaphore, #tpu.memory_space<semaphore_mem>>
        %dma_wait3A_244 = tpu.memref_squeeze %dma_wait3A_243 : memref<1x!tpu.dma_semaphore, #tpu.memory_space<semaphore_mem>> -> memref<!tpu.dma_semaphore, #tpu.memory_space<semaphore_mem>>
        %dma_wait3A_245 = arith.constant 0 : i32
        %dma_wait3A_246 = tpu.memref_slice %arg5[%sub3A_233, %dma_wait3A_245, %mul3A_2] : memref<200x64x4096xf32, #tpu.memory_space<hbm>> -> memref<1x64x128xf32, #tpu.memory_space<hbm>>
        %dma_wait3A_247 = tpu.memref_squeeze %dma_wait3A_246 : memref<1x64x128xf32, #tpu.memory_space<hbm>> -> memref<64x128xf32, #tpu.memory_space<hbm>>
        %dma_wait3A_248 = arith.constant 0 : i32
        %dma_wait3A_249 = arith.constant 0 : i32
        %dma_wait3A_250 = tpu.memref_slice %arg8[%dma_wait3A_234, %dma_wait3A_248, %dma_wait3A_249] : memref<2x64x128xf32, #tpu.memory_space<vmem>> -> memref<1x64x128xf32, #tpu.memory_space<vmem>>
        %dma_wait3A_251 = tpu.memref_squeeze %dma_wait3A_250 : memref<1x64x128xf32, #tpu.memory_space<vmem>> -> memref<64x128xf32, #tpu.memory_space<vmem>>
        tpu.wait_dma2 semaphore(%dma_wait3A_244 : memref<!tpu.dma_semaphore, #tpu.memory_space<semaphore_mem>>) src(%dma_wait3A_251 : memref<64x128xf32, #tpu.memory_space<vmem>>) dst(%dma_wait3A_247 : memref<64x128xf32, #tpu.memory_space<hbm>>)
      } else {
      }
      %broadcast_in_dim3A_203 = arith.constant 0 : i32
      %broadcast_in_dim3A_204 = vector.broadcast %broadcast_in_dim3A_203 : i32 to vector<16xi32>
      %add3A_205 = vector.broadcast %add3A_182 : i32 to vector<16xi32>
      %add3A_206 = arith.addi %broadcast_in_dim3A_204, %add3A_205 : vector<16xi32>
      %parallel_loop3A_207 = arith.constant 0 : i32
      %parallel_loop3A_208 = arith.constant 64 : i32
      %parallel_loop3A_209 = arith.constant 1 : i32
      scf.for %parallel_loop3A_233 = %parallel_loop3A_207 to %parallel_loop3A_208 step %parallel_loop3A_209  : i32 {
        %parallel_loop3A_234 = vector.broadcast %parallel_loop3A_233 : i32 to vector<16xi32>
        %parallel_loop3A_235 = arith.addi %mul3A_53, %parallel_loop3A_234 : vector<16xi32>
        %parallel_loop3A_236 = arith.constant 63 : i32
        %parallel_loop3A_237 = vector.broadcast %parallel_loop3A_236 : i32 to vector<16xi32>
        %parallel_loop3A_238 = arith.andi %parallel_loop3A_235, %parallel_loop3A_237 : vector<16xi32>
        %parallel_loop3A_239 = tpu.vector_load_idx %arg9[%add3A_206, %parallel_loop3A_238] : memref<200x128xf32, #tpu.memory_space<vmem>>[vector<16xi32>, vector<16xi32>], vector<16xf32>,
        %parallel_loop3A_240 = arith.constant 1 : i32
        %parallel_loop3A_241 = arith.constant 0 : i32
        %parallel_loop3A_242 = arith.constant 0 : i32
        %parallel_loop3A_243 = tpu.memref_slice %arg7[%parallel_loop3A_240, %parallel_loop3A_241, %parallel_loop3A_242] : memref<2x128x128xf32, #tpu.memory_space<vmem>> -> memref<1x128x128xf32, #tpu.memory_space<vmem>>
        %parallel_loop3A_244 = tpu.memref_squeeze %parallel_loop3A_243 : memref<1x128x128xf32, #tpu.memory_space<vmem>> -> memref<128x128xf32, #tpu.memory_space<vmem>>
        %parallel_loop3A_245 = tpu.vector_load_idx %parallel_loop3A_244[%add3A_8, %parallel_loop3A_238] : memref<128x128xf32, #tpu.memory_space<vmem>>[vector<16xi32>, vector<16xi32>], vector<16xf32>,
        %parallel_loop3A_246 = arith.addf %parallel_loop3A_245, %parallel_loop3A_239 : vector<16xf32>
        %parallel_loop3A_247 = arith.constant 1 : i32
        %parallel_loop3A_248 = arith.constant 0 : i32
        %parallel_loop3A_249 = arith.constant 0 : i32
        %parallel_loop3A_250 = tpu.memref_slice %arg8[%parallel_loop3A_247, %parallel_loop3A_248, %parallel_loop3A_249] : memref<2x64x128xf32, #tpu.memory_space<vmem>> -> memref<1x64x128xf32, #tpu.memory_space<vmem>>
        %parallel_loop3A_251 = tpu.memref_squeeze %parallel_loop3A_250 : memref<1x64x128xf32, #tpu.memory_space<vmem>> -> memref<64x128xf32, #tpu.memory_space<vmem>>
        tpu.vector_store_idx %parallel_loop3A_251[%parallel_loop3A_238, %add3A_8], %parallel_loop3A_246 : memref<64x128xf32, #tpu.memory_space<vmem>>[vector<16xi32>, vector<16xi32>], vector<16xf32>,
        %parallel_loop3A_252 = arith.constant 1 : i32
        %parallel_loop3A_253 = arith.constant 0 : i32
        %parallel_loop3A_254 = arith.constant 0 : i32
        %parallel_loop3A_255 = tpu.memref_slice %arg7[%parallel_loop3A_252, %parallel_loop3A_253, %parallel_loop3A_254] : memref<2x128x128xf32, #tpu.memory_space<vmem>> -> memref<1x128x128xf32, #tpu.memory_space<vmem>>
        %parallel_loop3A_256 = tpu.memref_squeeze %parallel_loop3A_255 : memref<1x128x128xf32, #tpu.memory_space<vmem>> -> memref<128x128xf32, #tpu.memory_space<vmem>>
        %parallel_loop3A_257 = tpu.vector_load_idx %parallel_loop3A_256[%add3A_14, %parallel_loop3A_238] : memref<128x128xf32, #tpu.memory_space<vmem>>[vector<16xi32>, vector<16xi32>], vector<16xf32>,
        %parallel_loop3A_258 = arith.addf %parallel_loop3A_257, %parallel_loop3A_239 : vector<16xf32>
        %parallel_loop3A_259 = arith.constant 1 : i32
        %parallel_loop3A_260 = arith.constant 0 : i32
        %parallel_loop3A_261 = arith.constant 0 : i32
        %parallel_loop3A_262 = tpu.memref_slice %arg8[%parallel_loop3A_259, %parallel_loop3A_260, %parallel_loop3A_261] : memref<2x64x128xf32, #tpu.memory_space<vmem>> -> memref<1x64x128xf32, #tpu.memory_space<vmem>>
        %parallel_loop3A_263 = tpu.memref_squeeze %parallel_loop3A_262 : memref<1x64x128xf32, #tpu.memory_space<vmem>> -> memref<64x128xf32, #tpu.memory_space<vmem>>
        tpu.vector_store_idx %parallel_loop3A_263[%parallel_loop3A_238, %add3A_14], %parallel_loop3A_258 : memref<64x128xf32, #tpu.memory_space<vmem>>[vector<16xi32>, vector<16xi32>], vector<16xf32>,
        %parallel_loop3A_264 = arith.constant 1 : i32
        %parallel_loop3A_265 = arith.constant 0 : i32
        %parallel_loop3A_266 = arith.constant 0 : i32
        %parallel_loop3A_267 = tpu.memref_slice %arg7[%parallel_loop3A_264, %parallel_loop3A_265, %parallel_loop3A_266] : memref<2x128x128xf32, #tpu.memory_space<vmem>> -> memref<1x128x128xf32, #tpu.memory_space<vmem>>
        %parallel_loop3A_268 = tpu.memref_squeeze %parallel_loop3A_267 : memref<1x128x128xf32, #tpu.memory_space<vmem>> -> memref<128x128xf32, #tpu.memory_space<vmem>>
        %parallel_loop3A_269 = tpu.vector_load_idx %parallel_loop3A_268[%add3A_20, %parallel_loop3A_238] : memref<128x128xf32, #tpu.memory_space<vmem>>[vector<16xi32>, vector<16xi32>], vector<16xf32>,
        %parallel_loop3A_270 = arith.addf %parallel_loop3A_269, %parallel_loop3A_239 : vector<16xf32>
        %parallel_loop3A_271 = arith.constant 1 : i32
        %parallel_loop3A_272 = arith.constant 0 : i32
        %parallel_loop3A_273 = arith.constant 0 : i32
        %parallel_loop3A_274 = tpu.memref_slice %arg8[%parallel_loop3A_271, %parallel_loop3A_272, %parallel_loop3A_273] : memref<2x64x128xf32, #tpu.memory_space<vmem>> -> memref<1x64x128xf32, #tpu.memory_space<vmem>>
        %parallel_loop3A_275 = tpu.memref_squeeze %parallel_loop3A_274 : memref<1x64x128xf32, #tpu.memory_space<vmem>> -> memref<64x128xf32, #tpu.memory_space<vmem>>
        tpu.vector_store_idx %parallel_loop3A_275[%parallel_loop3A_238, %add3A_20], %parallel_loop3A_270 : memref<64x128xf32, #tpu.memory_space<vmem>>[vector<16xi32>, vector<16xi32>], vector<16xf32>,
        %parallel_loop3A_276 = arith.constant 1 : i32
        %parallel_loop3A_277 = arith.constant 0 : i32
        %parallel_loop3A_278 = arith.constant 0 : i32
        %parallel_loop3A_279 = tpu.memref_slice %arg7[%parallel_loop3A_276, %parallel_loop3A_277, %parallel_loop3A_278] : memref<2x128x128xf32, #tpu.memory_space<vmem>> -> memref<1x128x128xf32, #tpu.memory_space<vmem>>
        %parallel_loop3A_280 = tpu.memref_squeeze %parallel_loop3A_279 : memref<1x128x128xf32, #tpu.memory_space<vmem>> -> memref<128x128xf32, #tpu.memory_space<vmem>>
        %parallel_loop3A_281 = tpu.vector_load_idx %parallel_loop3A_280[%add3A_26, %parallel_loop3A_238] : memref<128x128xf32, #tpu.memory_space<vmem>>[vector<16xi32>, vector<16xi32>], vector<16xf32>,
        %parallel_loop3A_282 = arith.addf %parallel_loop3A_281, %parallel_loop3A_239 : vector<16xf32>
        %parallel_loop3A_283 = arith.constant 1 : i32
        %parallel_loop3A_284 = arith.constant 0 : i32
        %parallel_loop3A_285 = arith.constant 0 : i32
        %parallel_loop3A_286 = tpu.memref_slice %arg8[%parallel_loop3A_283, %parallel_loop3A_284, %parallel_loop3A_285] : memref<2x64x128xf32, #tpu.memory_space<vmem>> -> memref<1x64x128xf32, #tpu.memory_space<vmem>>
        %parallel_loop3A_287 = tpu.memref_squeeze %parallel_loop3A_286 : memref<1x64x128xf32, #tpu.memory_space<vmem>> -> memref<64x128xf32, #tpu.memory_space<vmem>>
        tpu.vector_store_idx %parallel_loop3A_287[%parallel_loop3A_238, %add3A_26], %parallel_loop3A_282 : memref<64x128xf32, #tpu.memory_space<vmem>>[vector<16xi32>, vector<16xi32>], vector<16xf32>,
        %parallel_loop3A_288 = arith.constant 1 : i32
        %parallel_loop3A_289 = arith.constant 0 : i32
        %parallel_loop3A_290 = arith.constant 0 : i32
        %parallel_loop3A_291 = tpu.memref_slice %arg7[%parallel_loop3A_288, %parallel_loop3A_289, %parallel_loop3A_290] : memref<2x128x128xf32, #tpu.memory_space<vmem>> -> memref<1x128x128xf32, #tpu.memory_space<vmem>>
        %parallel_loop3A_292 = tpu.memref_squeeze %parallel_loop3A_291 : memref<1x128x128xf32, #tpu.memory_space<vmem>> -> memref<128x128xf32, #tpu.memory_space<vmem>>
        %parallel_loop3A_293 = tpu.vector_load_idx %parallel_loop3A_292[%add3A_32, %parallel_loop3A_238] : memref<128x128xf32, #tpu.memory_space<vmem>>[vector<16xi32>, vector<16xi32>], vector<16xf32>,
        %parallel_loop3A_294 = arith.addf %parallel_loop3A_293, %parallel_loop3A_239 : vector<16xf32>
        %parallel_loop3A_295 = arith.constant 1 : i32
        %parallel_loop3A_296 = arith.constant 0 : i32
        %parallel_loop3A_297 = arith.constant 0 : i32
        %parallel_loop3A_298 = tpu.memref_slice %arg8[%parallel_loop3A_295, %parallel_loop3A_296, %parallel_loop3A_297] : memref<2x64x128xf32, #tpu.memory_space<vmem>> -> memref<1x64x128xf32, #tpu.memory_space<vmem>>
        %parallel_loop3A_299 = tpu.memref_squeeze %parallel_loop3A_298 : memref<1x64x128xf32, #tpu.memory_space<vmem>> -> memref<64x128xf32, #tpu.memory_space<vmem>>
        tpu.vector_store_idx %parallel_loop3A_299[%parallel_loop3A_238, %add3A_32], %parallel_loop3A_294 : memref<64x128xf32, #tpu.memory_space<vmem>>[vector<16xi32>, vector<16xi32>], vector<16xf32>,
        %parallel_loop3A_300 = arith.constant 1 : i32
        %parallel_loop3A_301 = arith.constant 0 : i32
        %parallel_loop3A_302 = arith.constant 0 : i32
        %parallel_loop3A_303 = tpu.memref_slice %arg7[%parallel_loop3A_300, %parallel_loop3A_301, %parallel_loop3A_302] : memref<2x128x128xf32, #tpu.memory_space<vmem>> -> memref<1x128x128xf32, #tpu.memory_space<vmem>>
        %parallel_loop3A_304 = tpu.memref_squeeze %parallel_loop3A_303 : memref<1x128x128xf32, #tpu.memory_space<vmem>> -> memref<128x128xf32, #tpu.memory_space<vmem>>
        %parallel_loop3A_305 = tpu.vector_load_idx %parallel_loop3A_304[%add3A_38, %parallel_loop3A_238] : memref<128x128xf32, #tpu.memory_space<vmem>>[vector<16xi32>, vector<16xi32>], vector<16xf32>,
        %parallel_loop3A_306 = arith.addf %parallel_loop3A_305, %parallel_loop3A_239 : vector<16xf32>
        %parallel_loop3A_307 = arith.constant 1 : i32
        %parallel_loop3A_308 = arith.constant 0 : i32
        %parallel_loop3A_309 = arith.constant 0 : i32
        %parallel_loop3A_310 = tpu.memref_slice %arg8[%parallel_loop3A_307, %parallel_loop3A_308, %parallel_loop3A_309] : memref<2x64x128xf32, #tpu.memory_space<vmem>> -> memref<1x64x128xf32, #tpu.memory_space<vmem>>
        %parallel_loop3A_311 = tpu.memref_squeeze %parallel_loop3A_310 : memref<1x64x128xf32, #tpu.memory_space<vmem>> -> memref<64x128xf32, #tpu.memory_space<vmem>>
        tpu.vector_store_idx %parallel_loop3A_311[%parallel_loop3A_238, %add3A_38], %parallel_loop3A_306 : memref<64x128xf32, #tpu.memory_space<vmem>>[vector<16xi32>, vector<16xi32>], vector<16xf32>,
        %parallel_loop3A_312 = arith.constant 1 : i32
        %parallel_loop3A_313 = arith.constant 0 : i32
        %parallel_loop3A_314 = arith.constant 0 : i32
        %parallel_loop3A_315 = tpu.memref_slice %arg7[%parallel_loop3A_312, %parallel_loop3A_313, %parallel_loop3A_314] : memref<2x128x128xf32, #tpu.memory_space<vmem>> -> memref<1x128x128xf32, #tpu.memory_space<vmem>>
        %parallel_loop3A_316 = tpu.memref_squeeze %parallel_loop3A_315 : memref<1x128x128xf32, #tpu.memory_space<vmem>> -> memref<128x128xf32, #tpu.memory_space<vmem>>
        %parallel_loop3A_317 = tpu.vector_load_idx %parallel_loop3A_316[%add3A_44, %parallel_loop3A_238] : memref<128x128xf32, #tpu.memory_space<vmem>>[vector<16xi32>, vector<16xi32>], vector<16xf32>,
        %parallel_loop3A_318 = arith.addf %parallel_loop3A_317, %parallel_loop3A_239 : vector<16xf32>
        %parallel_loop3A_319 = arith.constant 1 : i32
        %parallel_loop3A_320 = arith.constant 0 : i32
        %parallel_loop3A_321 = arith.constant 0 : i32
        %parallel_loop3A_322 = tpu.memref_slice %arg8[%parallel_loop3A_319, %parallel_loop3A_320, %parallel_loop3A_321] : memref<2x64x128xf32, #tpu.memory_space<vmem>> -> memref<1x64x128xf32, #tpu.memory_space<vmem>>
        %parallel_loop3A_323 = tpu.memref_squeeze %parallel_loop3A_322 : memref<1x64x128xf32, #tpu.memory_space<vmem>> -> memref<64x128xf32, #tpu.memory_space<vmem>>
        tpu.vector_store_idx %parallel_loop3A_323[%parallel_loop3A_238, %add3A_44], %parallel_loop3A_318 : memref<64x128xf32, #tpu.memory_space<vmem>>[vector<16xi32>, vector<16xi32>], vector<16xf32>,
        %parallel_loop3A_324 = arith.constant 1 : i32
        %parallel_loop3A_325 = arith.constant 0 : i32
        %parallel_loop3A_326 = arith.constant 0 : i32
        %parallel_loop3A_327 = tpu.memref_slice %arg7[%parallel_loop3A_324, %parallel_loop3A_325, %parallel_loop3A_326] : memref<2x128x128xf32, #tpu.memory_space<vmem>> -> memref<1x128x128xf32, #tpu.memory_space<vmem>>
        %parallel_loop3A_328 = tpu.memref_squeeze %parallel_loop3A_327 : memref<1x128x128xf32, #tpu.memory_space<vmem>> -> memref<128x128xf32, #tpu.memory_space<vmem>>
        %parallel_loop3A_329 = tpu.vector_load_idx %parallel_loop3A_328[%add3A_50, %parallel_loop3A_238] : memref<128x128xf32, #tpu.memory_space<vmem>>[vector<16xi32>, vector<16xi32>], vector<16xf32>,
        %parallel_loop3A_330 = arith.addf %parallel_loop3A_329, %parallel_loop3A_239 : vector<16xf32>
        %parallel_loop3A_331 = arith.constant 1 : i32
        %parallel_loop3A_332 = arith.constant 0 : i32
        %parallel_loop3A_333 = arith.constant 0 : i32
        %parallel_loop3A_334 = tpu.memref_slice %arg8[%parallel_loop3A_331, %parallel_loop3A_332, %parallel_loop3A_333] : memref<2x64x128xf32, #tpu.memory_space<vmem>> -> memref<1x64x128xf32, #tpu.memory_space<vmem>>
        %parallel_loop3A_335 = tpu.memref_squeeze %parallel_loop3A_334 : memref<1x64x128xf32, #tpu.memory_space<vmem>> -> memref<64x128xf32, #tpu.memory_space<vmem>>
        tpu.vector_store_idx %parallel_loop3A_335[%parallel_loop3A_238, %add3A_50], %parallel_loop3A_330 : memref<64x128xf32, #tpu.memory_space<vmem>>[vector<16xi32>, vector<16xi32>], vector<16xf32>,
      } {sc.loop_unroll_factor = 4 : i64, sc.parallel_access}
      %dma_start3A_210 = arith.constant 1 : i32
      %dma_start3A_211 = arith.constant 1 : i32
      %dma_start3A_212 = arith.constant 0 : i32
      %dma_start3A_213 = arith.constant 0 : i32
      %dma_start3A_214 = tpu.memref_slice %arg8[%dma_start3A_210, %dma_start3A_212, %dma_start3A_213] : memref<2x64x128xf32, #tpu.memory_space<vmem>> -> memref<1x64x128xf32, #tpu.memory_space<vmem>>
      %dma_start3A_215 = tpu.memref_squeeze %dma_start3A_214 : memref<1x64x128xf32, #tpu.memory_space<vmem>> -> memref<64x128xf32, #tpu.memory_space<vmem>>
      %dma_start3A_216 = arith.constant 0 : i32
      %dma_start3A_217 = tpu.memref_slice %arg5[%add3A_182, %dma_start3A_216, %mul3A_2] : memref<200x64x4096xf32, #tpu.memory_space<hbm>> -> memref<1x64x128xf32, #tpu.memory_space<hbm>>
      %dma_start3A_218 = tpu.memref_squeeze %dma_start3A_217 : memref<1x64x128xf32, #tpu.memory_space<hbm>> -> memref<64x128xf32, #tpu.memory_space<hbm>>
      %dma_start3A_219 = tpu.memref_slice %arg11[%dma_start3A_211] : memref<2x!tpu.dma_semaphore, #tpu.memory_space<semaphore_mem>> -> memref<1x!tpu.dma_semaphore, #tpu.memory_space<semaphore_mem>>
      %dma_start3A_220 = tpu.memref_squeeze %dma_start3A_219 : memref<1x!tpu.dma_semaphore, #tpu.memory_space<semaphore_mem>> -> memref<!tpu.dma_semaphore, #tpu.memory_space<semaphore_mem>>
      %dma_start3A_221 = arith.constant 0 : i32
      %dma_start3A_222 = tpu.memref_slice %arg5[%add3A_182, %dma_start3A_221, %mul3A_2] : memref<200x64x4096xf32, #tpu.memory_space<hbm>> -> memref<1x64x128xf32, #tpu.memory_space<hbm>>
      %dma_start3A_223 = tpu.memref_squeeze %dma_start3A_222 : memref<1x64x128xf32, #tpu.memory_space<hbm>> -> memref<64x128xf32, #tpu.memory_space<hbm>>
      %dma_start3A_224 = arith.constant 0 : i32
      %dma_start3A_225 = arith.constant 0 : i32
      %dma_start3A_226 = tpu.memref_slice %arg8[%dma_start3A_210, %dma_start3A_224, %dma_start3A_225] : memref<2x64x128xf32, #tpu.memory_space<vmem>> -> memref<1x64x128xf32, #tpu.memory_space<vmem>>
      %dma_start3A_227 = tpu.memref_squeeze %dma_start3A_226 : memref<1x64x128xf32, #tpu.memory_space<vmem>> -> memref<64x128xf32, #tpu.memory_space<vmem>>
      tpu.enqueue_dma source(%dma_start3A_227 : memref<64x128xf32, #tpu.memory_space<vmem>>) target(%dma_start3A_223 : memref<64x128xf32, #tpu.memory_space<hbm>>) target_semaphore(%dma_start3A_220 : memref<!tpu.dma_semaphore, #tpu.memory_space<semaphore_mem>>)
      %lt3A_228 = arith.constant 99 : i32
      %lt3A_229 = arith.cmpi slt, %scan3A_130, %lt3A_228 : i32
      %convert_element_type3A_230 = arith.extui %lt3A_229 : i1 to i32
      %cond3A_231 = arith.constant 0 : i32
      %cond3A_232 = arith.cmpi ne, %convert_element_type3A_230, %cond3A_231 : i32
      scf.if %cond3A_232 {
        %add3A_233 = arith.constant 2 : i32
        %add3A_234 = arith.addi %add3A_182, %add3A_233 : i32
        %mul3A_235 = arith.constant 4096 : i32
        %mul3A_236 = arith.muli %add3A_234, %mul3A_235 : i32
        %add3A_237 = arith.addi %mul3A_236, %mul3A_2 : i32
        %run_scoped3A_238 = arith.constant 1 : i32
        "tpu.region"() ({
          %run_scoped3A_254 = tpu.sem_alloc : memref<!tpu.dma_semaphore, #tpu.memory_space<semaphore_mem>>
          %dma_start3A_255 = arith.constant 0 : i32
          %dma_start3A_256 = tpu.memref_slice %arg6[%run_scoped3A_238, %dma_start3A_255] : memref<2x128xi32, #tpu.memory_space<vmem>> -> memref<1x128xi32, #tpu.memory_space<vmem>>
          %dma_start3A_257 = tpu.memref_squeeze %dma_start3A_256 : memref<1x128xi32, #tpu.memory_space<vmem>> -> memref<128xi32, #tpu.memory_space<vmem>>
          %dma_start3A_258 = tpu.memref_slice %arg2[%add3A_237] : memref<819200xi32, #tpu.memory_space<hbm>> -> memref<128xi32, #tpu.memory_space<hbm>>
          %dma_start3A_259 = arith.constant 0 : i32
          %dma_start3A_260 = tpu.memref_slice %arg6[%run_scoped3A_238, %dma_start3A_259] : memref<2x128xi32, #tpu.memory_space<vmem>> -> memref<1x128xi32, #tpu.memory_space<vmem>>
          %dma_start3A_261 = tpu.memref_squeeze %dma_start3A_260 : memref<1x128xi32, #tpu.memory_space<vmem>> -> memref<128xi32, #tpu.memory_space<vmem>>
          %dma_start3A_262 = tpu.memref_slice %arg2[%add3A_237] : memref<819200xi32, #tpu.memory_space<hbm>> -> memref<128xi32, #tpu.memory_space<hbm>>
          tpu.enqueue_dma source(%dma_start3A_262 : memref<128xi32, #tpu.memory_space<hbm>>) target(%dma_start3A_261 : memref<128xi32, #tpu.memory_space<vmem>>) target_semaphore(%run_scoped3A_254 : memref<!tpu.dma_semaphore, #tpu.memory_space<semaphore_mem>>)
          %dma_wait3A_263 = arith.constant 0 : i32
          %dma_wait3A_264 = tpu.memref_slice %arg6[%run_scoped3A_238, %dma_wait3A_263] : memref<2x128xi32, #tpu.memory_space<vmem>> -> memref<1x128xi32, #tpu.memory_space<vmem>>
          %dma_wait3A_265 = tpu.memref_squeeze %dma_wait3A_264 : memref<1x128xi32, #tpu.memory_space<vmem>> -> memref<128xi32, #tpu.memory_space<vmem>>
          %dma_wait3A_266 = tpu.memref_slice %arg2[%add3A_237] : memref<819200xi32, #tpu.memory_space<hbm>> -> memref<128xi32, #tpu.memory_space<hbm>>
          %dma_wait3A_267 = arith.constant 0 : i32
          %dma_wait3A_268 = tpu.memref_slice %arg6[%run_scoped3A_238, %dma_wait3A_267] : memref<2x128xi32, #tpu.memory_space<vmem>> -> memref<1x128xi32, #tpu.memory_space<vmem>>
          %dma_wait3A_269 = tpu.memref_squeeze %dma_wait3A_268 : memref<1x128xi32, #tpu.memory_space<vmem>> -> memref<128xi32, #tpu.memory_space<vmem>>
          %dma_wait3A_270 = tpu.memref_slice %arg2[%add3A_237] : memref<819200xi32, #tpu.memory_space<hbm>> -> memref<128xi32, #tpu.memory_space<hbm>>
          tpu.wait_dma2 semaphore(%run_scoped3A_254 : memref<!tpu.dma_semaphore, #tpu.memory_space<semaphore_mem>>) src(%dma_wait3A_270 : memref<128xi32, #tpu.memory_space<hbm>>) dst(%dma_wait3A_269 : memref<128xi32, #tpu.memory_space<vmem>>)
          tpu.yield
        }) : () -> ()
        %dma_start3A_239 = arith.constant 1 : i32
        %dma_start3A_240 = arith.constant 1 : i32
        %dma_start3A_241 = arith.constant 1 : i32
        %dma_start3A_242 = arith.constant 0 : i32
        %dma_start3A_243 = arith.constant 0 : i32
        %dma_start3A_244 = tpu.memref_slice %arg7[%dma_start3A_240, %dma_start3A_242, %dma_start3A_243] : memref<2x128x128xf32, #tpu.memory_space<vmem>> -> memref<1x128x128xf32, #tpu.memory_space<vmem>>
        %dma_start3A_245 = tpu.memref_squeeze %dma_start3A_244 : memref<1x128x128xf32, #tpu.memory_space<vmem>> -> memref<128x128xf32, #tpu.memory_space<vmem>>
        %dma_start3A_246 = arith.constant 0 : i32
        %dma_start3A_247 = tpu.memref_slice %arg6[%dma_start3A_239, %dma_start3A_246] : memref<2x128xi32, #tpu.memory_space<vmem>> -> memref<1x128xi32, #tpu.memory_space<vmem>>
        %dma_start3A_248 = tpu.memref_squeeze %dma_start3A_247 : memref<1x128xi32, #tpu.memory_space<vmem>> -> memref<128xi32, #tpu.memory_space<vmem>>
        %dma_start3A_249 = arith.constant 0 : i32
        %dma_start3A_250 = arith.constant 0 : i32
        %dma_start3A_251 = tpu.memref_slice %arg3[%dma_start3A_249, %dma_start3A_250] : memref<100000x128xf32, #tpu.memory_space<hbm>> -> memref<100000x128xf32, #tpu.memory_space<hbm>>
        %dma_start3A_252 = tpu.memref_slice %arg10[%dma_start3A_241] : memref<2x!tpu.dma_semaphore, #tpu.memory_space<semaphore_mem>> -> memref<1x!tpu.dma_semaphore, #tpu.memory_space<semaphore_mem>>
        %dma_start3A_253 = tpu.memref_squeeze %dma_start3A_252 : memref<1x!tpu.dma_semaphore, #tpu.memory_space<semaphore_mem>> -> memref<!tpu.dma_semaphore, #tpu.memory_space<semaphore_mem>>
        tpu.enqueue_indirect_dma source(%dma_start3A_251 : memref<100000x128xf32, #tpu.memory_space<hbm>>) target(%dma_start3A_245 : memref<128x128xf32, #tpu.memory_space<vmem>>) offsets(%dma_start3A_248 : memref<128xi32, #tpu.memory_space<vmem>>) semaphore(%dma_start3A_253 : memref<!tpu.dma_semaphore, #tpu.memory_space<semaphore_mem>>)
      } else {
      }
    }
    %scan3A_92 = arith.constant 100 : i32
    %dma_wait3A = arith.constant 0 : i32
    %dma_wait3A_93 = arith.constant 198 : i32
    %dma_wait3A_94 = arith.constant 0 : i32
    %dma_wait3A_95 = arith.constant 0 : i32
    %dma_wait3A_96 = arith.constant 0 : i32
    %dma_wait3A_97 = tpu.memref_slice %arg8[%dma_wait3A, %dma_wait3A_95, %dma_wait3A_96] : memref<2x64x128xf32, #tpu.memory_space<vmem>> -> memref<1x64x128xf32, #tpu.memory_space<vmem>>
    %dma_wait3A_98 = tpu.memref_squeeze %dma_wait3A_97 : memref<1x64x128xf32, #tpu.memory_space<vmem>> -> memref<64x128xf32, #tpu.memory_space<vmem>>
    %dma_wait3A_99 = arith.constant 0 : i32
    %dma_wait3A_100 = tpu.memref_slice %arg5[%dma_wait3A_93, %dma_wait3A_99, %mul3A_2] : memref<200x64x4096xf32, #tpu.memory_space<hbm>> -> memref<1x64x128xf32, #tpu.memory_space<hbm>>
    %dma_wait3A_101 = tpu.memref_squeeze %dma_wait3A_100 : memref<1x64x128xf32, #tpu.memory_space<hbm>> -> memref<64x128xf32, #tpu.memory_space<hbm>>
    %dma_wait3A_102 = tpu.memref_slice %arg11[%dma_wait3A_94] : memref<2x!tpu.dma_semaphore, #tpu.memory_space<semaphore_mem>> -> memref<1x!tpu.dma_semaphore, #tpu.memory_space<semaphore_mem>>
    %dma_wait3A_103 = tpu.memref_squeeze %dma_wait3A_102 : memref<1x!tpu.dma_semaphore, #tpu.memory_space<semaphore_mem>> -> memref<!tpu.dma_semaphore, #tpu.memory_space<semaphore_mem>>
    %dma_wait3A_104 = arith.constant 0 : i32
    %dma_wait3A_105 = tpu.memref_slice %arg5[%dma_wait3A_93, %dma_wait3A_104, %mul3A_2] : memref<200x64x4096xf32, #tpu.memory_space<hbm>> -> memref<1x64x128xf32, #tpu.memory_space<hbm>>
    %dma_wait3A_106 = tpu.memref_squeeze %dma_wait3A_105 : memref<1x64x128xf32, #tpu.memory_space<hbm>> -> memref<64x128xf32, #tpu.memory_space<hbm>>
    %dma_wait3A_107 = arith.constant 0 : i32
    %dma_wait3A_108 = arith.constant 0 : i32
    %dma_wait3A_109 = tpu.memref_slice %arg8[%dma_wait3A, %dma_wait3A_107, %dma_wait3A_108] : memref<2x64x128xf32, #tpu.memory_space<vmem>> -> memref<1x64x128xf32, #tpu.memory_space<vmem>>
    %dma_wait3A_110 = tpu.memref_squeeze %dma_wait3A_109 : memref<1x64x128xf32, #tpu.memory_space<vmem>> -> memref<64x128xf32, #tpu.memory_space<vmem>>
    tpu.wait_dma2 semaphore(%dma_wait3A_103 : memref<!tpu.dma_semaphore, #tpu.memory_space<semaphore_mem>>) src(%dma_wait3A_110 : memref<64x128xf32, #tpu.memory_space<vmem>>) dst(%dma_wait3A_106 : memref<64x128xf32, #tpu.memory_space<hbm>>)
    %dma_wait3A_111 = arith.constant 1 : i32
    %dma_wait3A_112 = arith.constant 199 : i32
    %dma_wait3A_113 = arith.constant 1 : i32
    %dma_wait3A_114 = arith.constant 0 : i32
    %dma_wait3A_115 = arith.constant 0 : i32
    %dma_wait3A_116 = tpu.memref_slice %arg8[%dma_wait3A_111, %dma_wait3A_114, %dma_wait3A_115] : memref<2x64x128xf32, #tpu.memory_space<vmem>> -> memref<1x64x128xf32, #tpu.memory_space<vmem>>
    %dma_wait3A_117 = tpu.memref_squeeze %dma_wait3A_116 : memref<1x64x128xf32, #tpu.memory_space<vmem>> -> memref<64x128xf32, #tpu.memory_space<vmem>>
    %dma_wait3A_118 = arith.constant 0 : i32
    %dma_wait3A_119 = tpu.memref_slice %arg5[%dma_wait3A_112, %dma_wait3A_118, %mul3A_2] : memref<200x64x4096xf32, #tpu.memory_space<hbm>> -> memref<1x64x128xf32, #tpu.memory_space<hbm>>
    %dma_wait3A_120 = tpu.memref_squeeze %dma_wait3A_119 : memref<1x64x128xf32, #tpu.memory_space<hbm>> -> memref<64x128xf32, #tpu.memory_space<hbm>>
    %dma_wait3A_121 = tpu.memref_slice %arg11[%dma_wait3A_113] : memref<2x!tpu.dma_semaphore, #tpu.memory_space<semaphore_mem>> -> memref<1x!tpu.dma_semaphore, #tpu.memory_space<semaphore_mem>>
    %dma_wait3A_122 = tpu.memref_squeeze %dma_wait3A_121 : memref<1x!tpu.dma_semaphore, #tpu.memory_space<semaphore_mem>> -> memref<!tpu.dma_semaphore, #tpu.memory_space<semaphore_mem>>
    %dma_wait3A_123 = arith.constant 0 : i32
    %dma_wait3A_124 = tpu.memref_slice %arg5[%dma_wait3A_112, %dma_wait3A_123, %mul3A_2] : memref<200x64x4096xf32, #tpu.memory_space<hbm>> -> memref<1x64x128xf32, #tpu.memory_space<hbm>>
    %dma_wait3A_125 = tpu.memref_squeeze %dma_wait3A_124 : memref<1x64x128xf32, #tpu.memory_space<hbm>> -> memref<64x128xf32, #tpu.memory_space<hbm>>
    %dma_wait3A_126 = arith.constant 0 : i32
    %dma_wait3A_127 = arith.constant 0 : i32
    %dma_wait3A_128 = tpu.memref_slice %arg8[%dma_wait3A_111, %dma_wait3A_126, %dma_wait3A_127] : memref<2x64x128xf32, #tpu.memory_space<vmem>> -> memref<1x64x128xf32, #tpu.memory_space<vmem>>
    %dma_wait3A_129 = tpu.memref_squeeze %dma_wait3A_128 : memref<1x64x128xf32, #tpu.memory_space<vmem>> -> memref<64x128xf32, #tpu.memory_space<vmem>>
    tpu.wait_dma2 semaphore(%dma_wait3A_122 : memref<!tpu.dma_semaphore, #tpu.memory_space<semaphore_mem>>) src(%dma_wait3A_129 : memref<64x128xf32, #tpu.memory_space<vmem>>) dst(%dma_wait3A_125 : memref<64x128xf32, #tpu.memory_space<hbm>>)
    return
  }
}

</mosaic_0001>

<sc_bundles>
// kernel: kernel.3.cloned.1.call-start
scs
__scs_entry_jumppad:
0x0: {  	(pc) =	sbr.rel $0x88, $3  }
0x1: {  	(tag) =	ssettag $0x0;
	lr =	simm.s32 $0x1  }
0x2: {  	[smem:$0x3F9E] =	sst lr;
	_ =	strace $0xD0000000  }
0x3: {  	_ = 	snop  }
0x4: {  	_ = 	snop  }
0x5: {  	_ = 	snop  }
0x6: {  	_ = 	snop  }
0x7: {  	_ = 	snop  }
__scs_overlays_trampoline_lowered:
0x8: {  	[smem:$0x3FAD] =	sst s0  }
0x9: {  	[smem:$0x3FAE] =	sst s1  }
0xa: {  	[smem:$0x3FAF] =	sst s2  }
0xb: {  	[smem:$0x3FB0] =	sst s3  }
0xc: {  	[smem:$0x3FB1] =	sst s4  }
0xd: {  	[smem:$0x3FB2] =	sst s5  }
0xe: {  	[smem:$0x3FB3] =	sst s6  }
0xf: {  	[smem:$0x3FB4] =	sst s7  }
0x10: {  	[smem:$0x3FB5] =	sst s8  }
0x11: {  	[smem:$0x3FB6] =	sst s9;
	s0 =	simm.s32 @!p0 $0x0  }
0x12: {  	s1 =	sld [smem:$0x3F9C];
	s0 =	simm.s32 @p0 $0x1  }
0x13: {  	[smem:$0x3FB7] =	sst s0;
	s0 =	simm.s32 @!p1 $0x0  }
0x14: {  	s2 =	sld [smem:$0x3F9B];
	s0 =	simm.s32 @p1 $0x1  }
0x15: {  	[smem:$0x3FB8] =	sst s0;
	s0 =	simm.s32 @!p2 $0x0  }
0x16: {  	s3 =	sld [smem:$0x3FDB];
	s0 =	simm.s32 @p2 $0x1  }
0x17: {  	s4 =	simm.s32 $0x1BF5;
	[smem:$0x3FBA] =	sst s0  }
0x18: {  	s0 =	sld [smem:$0x3F9D];
	_ =	swait.ge [sflag:s4], $0x0  }
0x19: {  	s7 =	sld [smem:$0x3F9E]  }
0x1a: {  	s8 =	sadd.s32 $0xFFFFE003, lr  }
0x1b: {  	s9 =	sadd.s32 $0xFFFFFEF7, lr;
	s5 =	simm.s32 $0xFFFFFFFF;
	p2 =	slt.u32 s8, $0xFFFFF086  }
0x1c: {  	p1 =	slt.u32 s9, $0xF7A;
	s5 =	simm.s32 @!p2 $0x0  }
0x1d: {  	s5 =	simm.s32 @p1 $0x1;
	p0 =	seq.s32 s7, s2  }
0x1e: {  	s7 =	smul.u32 @!p0 $0xF7A, s2;
	p2 =	seq.s32 @!p0 s5, $0x0  }
0x1f: {  	s9 =	smul.u32 $0xF7A, s1;
	s8 =	simm.s32 @!p0 $0x1BF5;
	p2 =	por !p2, p0  }
0x20: {  	[sflag:s8] =	ssyncset.s32 @!p0 $0xFFFFF086;
	s6 =	sadd.s32 @!p0 s3, s7;
	s7 =	simm.s32 @!p0 $0x108  }
0x21: {  	s3 =	sadd.s32 s3, s9;
	s6 =	sadd.s32 @!p0 $0x88, s6;
	s7 =	simm.s32 @p2 $0x1082  }
0x22: {  	[simem:s7], [sflag:s8] =	dma.local @!p0 [hbm:s6], $0xF7A  }
0x23: {  	s9 =	sor.u32 $0xD0000000, s2;
	s6 =	simm.s32 $0x108;
	_ =	swait.ge @!p0 [sflag:s8], $0x0  }
0x24: {  	s3 =	sadd.s32 $0x88, s3;
	s6 =	simm.s32 @!p1 $0x1082;
	[sflag:s4] =	ssyncset.s32 $0xFFFFF086  }
0x25: {  	[simem:s6], [sflag:s4] =	dma.local [hbm:s3], $0xF7A  }
0x26: {  	[smem:$0x3F9E] =	sst s1;
	(tag) =	ssettag s2;
	_ =	strace s9  }
0x27: {  	s1 =	sld [smem:$0x3FAE]  }
0x28: {  	s2 =	sld [smem:$0x3FAF]  }
0x29: {  	s4 =	sld [smem:$0x3FB1]  }
0x2a: {  	p0 =	seq.s32 s5, $0x0;
	s5 =	sld [smem:$0x3FB2]  }
0x2b: {  	s6 =	sld [smem:$0x3FB3]  }
0x2c: {  	s7 =	sld [smem:$0x3FB4]  }
0x2d: {  	s3 =	simm.s32 $0x108;
	s8 =	sld [smem:$0x3FB5]  }
0x2e: {  	s3 =	simm.s32 @!p0 $0x1082;
	s9 =	sld [smem:$0x3FB6]  }
0x2f: {  	lr =	sadd.s32 s0, s3;
	s0 =	sld [smem:$0x3FAD]  }
0x30: {  	s3 =	sld [smem:$0x3FB0]  }
0x31: {  	[smem:$0x3FB9] =	sst s10  }
0x32: {  	s10 =	sld [smem:$0x3FB7];
	_ =	sdelay $0x3  }
0x33: {  	p0 =	seq.s32 s10, $0x1;
	s10 =	sld [smem:$0x3FB9];
	_ =	sdelay $0x3  }
0x34: {  	[smem:$0x3FB9] =	sst s10  }
0x35: {  	s10 =	sld [smem:$0x3FB8];
	_ =	sdelay $0x3  }
0x36: {  	p1 =	seq.s32 s10, $0x1;
	s10 =	sld [smem:$0x3FB9];
	_ =	sdelay $0x3  }
0x37: {  	[smem:$0x3FB9] =	sst s10  }
0x38: {  	s10 =	sld [smem:$0x3FBA]  }
0x39: {  	_ = 	snop;
	(pc) =	sbr.ind lr, $3  }
0x3a: {  	_ = 	snop  }
0x3b: {  	_ = 	snop  }
0x3c: {  	p2 =	seq.s32 s10, $0x1;
	s10 =	sld [smem:$0x3FB9]  }
0x3d: {  	_ =	shalt  }
0x3e: {  	_ =	shalt  }
0x3f: {  	_ =	shalt  }
0x40: {  	_ =	shalt  }
0x41: {  	_ =	shalt  }
0x42: {  	_ =	shalt  }
0x43: {  	_ =	shalt  }
0x44: {  	_ =	shalt  }
0x45: {  	_ =	shalt  }
0x46: {  	_ =	shalt  }
0x47: {  	_ =	shalt  }
0x48: {  	_ =	shalt  }
0x49: {  	_ =	shalt  }
0x4a: {  	_ =	shalt  }
0x4b: {  	_ =	shalt  }
0x4c: {  	_ =	shalt  }
0x4d: {  	_ =	shalt  }
0x4e: {  	_ =	shalt  }
0x4f: {  	_ =	shalt  }
0x50: {  	_ =	shalt  }
0x51: {  	_ =	shalt  }
0x52: {  	_ =	shalt  }
0x53: {  	_ =	shalt  }
0x54: {  	_ =	shalt  }
0x55: {  	_ =	shalt  }
0x56: {  	_ =	shalt  }
0x57: {  	_ =	shalt  }
0x58: {  	_ =	shalt  }
0x59: {  	_ =	shalt  }
0x5a: {  	_ =	shalt  }
0x5b: {  	_ =	shalt  }
0x5c: {  	_ =	shalt  }
0x5d: {  	_ =	shalt  }
0x5e: {  	_ =	shalt  }
0x5f: {  	_ =	shalt  }
0x60: {  	_ =	shalt  }
0x61: {  	_ =	shalt  }
0x62: {  	_ =	shalt  }
0x63: {  	_ =	shalt  }
0x64: {  	_ =	shalt  }
0x65: {  	_ =	shalt  }
0x66: {  	_ =	shalt  }
0x67: {  	_ =	shalt  }
0x68: {  	_ =	shalt  }
0x69: {  	_ =	shalt  }
0x6a: {  	_ =	shalt  }
0x6b: {  	_ =	shalt  }
0x6c: {  	_ =	shalt  }
0x6d: {  	_ =	shalt  }
0x6e: {  	_ =	shalt  }
0x6f: {  	_ =	shalt  }
0x70: {  	_ =	shalt  }
0x71: {  	_ =	shalt  }
0x72: {  	_ =	shalt  }
0x73: {  	_ =	shalt  }
0x74: {  	_ =	shalt  }
0x75: {  	_ =	shalt  }
0x76: {  	_ =	shalt  }
0x77: {  	_ =	shalt  }
0x78: {  	_ =	shalt  }
0x79: {  	_ =	shalt  }
0x7a: {  	_ =	shalt  }
0x7b: {  	_ =	shalt  }
0x7c: {  	_ =	shalt  }
0x7d: {  	_ =	shalt  }
0x7e: {  	_ =	shalt  }
0x7f: {  	_ =	shalt  }
0x80: {  	_ =	shalt  }
0x81: {  	_ =	shalt  }
0x82: {  	_ =	shalt  }
0x83: {  	_ =	shalt  }
0x84: {  	_ =	shalt  }
0x85: {  	_ =	shalt  }
0x86: {  	_ =	shalt  }
0x87: {  	_ =	shalt  }
.Lfunc_end0:
.L_simem_size_0:
called_computation_lowered:
.L_overlay_start_0:
0x88: {  	s2 =	sld [smem:$0x3FD9]  }
0x89: {  	s3 =	sld [smem:$0x3FFE];
	_ =	sdelay $0x1  }
0x8a: {  	s1 =	srdreg.scid  }
0x8b: {  	s0 =	sand.u32 $0x1, s1  }
0x8c: {  	s17 =	sshll.u32 s0, $0xA;
	s2 =	sadd.s32 s3, s2  }
0x8d: {  	s2 =	sadd.s32 s2, s17  }
0x8e: {  	[smem:$0x3FC5] =	sst s2  }
0x8f: {  	_ = 	snop  }
0x90: {  	s2 =	sld [smem:$0x3FD0];
	(tm) =	ssettm $0x1  }
0x91: {  	s18 =	sld [smem:$0x3FFB];
	_ =	sdelay $0x3  }
0x92: {  	_ =	strace s18  }
0x93: {  	s3 =	sld [smem:$0x3FFC];
	_ =	sdelay $0x3  }
0x94: {  	_ =	strace s3  }
0x95: {  	s3 =	sld [smem:$0x3FFD];
	_ =	sdelay $0x3  }
0x96: {  	_ =	strace s3  }
0x97: {  	_ =	strace $0x8FFFFFFF  }
0x98: {  	s19 =	sld [smem:$0x3FDB];
	_ =	sdelay $0x1  }
0x99: {  	s4 =	simm.s32 $_scs_section_size  }
0x9a: {  	s5 =	simm.s32 $_size__tile_overlayer_lowered;
	s6 =	simm.s32 $_tile_overlayer_lowered  }
0x9b: {  	s22 =	simm.s32 $0x1BFF;
	s21 =	sshll.u32 s6, $0x1;
	s3 =	sadd.s32 s4, s19  }
0x9c: {  	s7 =	simm.s32 $0x0;
	s20 =	sshll.u32 s5, $0x1;
	s5 =	sadd.s32 s21, s3  }
0x9d: {  	[timem:s7], [sflag:s22] =	dma.local [hbm:s5], s20  }
0x9e: {  	_ =	swait.ge [sflag:s22], s20  }
0x9f: {  	s4 =	ssub.s32 $0x0, s20;
	[sflag:s22] =	ssyncset.done $0x0  }
0xa0: {  	[sflag:s22] =	ssyncadd.s32 s4;
	_ =	sdelay $0x1  }
0xa1: {  	s23 =	simm.s32 $0x1B8B  }
0xa2: {  	_ =	swait.ge [sflag:s23], $0x1  }
0xa3: {  	[sflag:s23] =	ssyncset.done $0x0  }
0xa4: {  	s25 =	simm.s32 $0x1B8E;
	s24 =	sld [smem:$0x3FFE];
	[sflag:s23] =	ssyncadd.s32 $0xFFFFFFFF  }
0xa5: {  	s26 =	simm.s32 $execute0_lowered;
	[smem:$0x3FD2] =	sst s25  }
0xa6: {  	s5 =	sshll.u32 s26, $0x1;
	_ =	strace $0x80000046;
	[dreg:$0x1] =	wrdreg $0xFFFFFFFF  }
0xa7: {  	s28 =	simm.s32 $_size_execute0_lowered;
	s3 =	sadd.s32 s3, s5;
	[dreg:$0x0] =	wrdreg $0x0  }
0xa8: {  	s5 =	sshll.u32 s28, $0x1;
	[dreg:$0x2] =	wrdreg s3  }
0xa9: {  	[dreg:$0x3] =	wrdreg s5  }
0xaa: {  	[dreg:$0x4] =	wrdreg $0xC0  }
0xab: {  	_ =	task [dreg:s7], $0x5FFFF  }
0xac: {  	[dreg:$0x1] =	wrdreg $0xFFFFFFFF  }
0xad: {  	[dreg:$0x0] =	wrdreg $0x60  }
0xae: {  	[dreg:$0x2] =	wrdreg s24  }
0xaf: {  	[dreg:$0x3] =	wrdreg s2  }
0xb0: {  	[dreg:$0x4] =	wrdreg $0x9  }
0xb1: {  	_ =	task.clear_ibuf [dreg:s7], $0x5FFFF;
	_ =	strace $0x90000046  }
0xb2: {  	s29 =	simm.s32 $0x9;
	_ =	strace $0x80000048  }
0xb3: {  	_ =	swait.ge [sflag:s29], $0x1  }
0xb4: {  	[sflag:s29] =	ssyncadd.s32 $0xFFFFFFFF  }
0xb5: {  	_ =	strace $0x90000048  }
0xb6: {  	_ =	sfence  }
0xb7: {  	s30 =	sld [smem:$0x0];
	_ =	sdelay $0x2  }
0xb8: {  	s31 =	sshll.u32 s1, $0xD;
	s1 =	sshrl.u32 s1, $0x2  }
0xb9: {  	s3 =	sand.u32 $0x4000, s31;
	s1 =	sadd.s32 s1, s30  }
0xba: {  	s0 =	sor.u32 s3, s0;
	s1 =	sshll.u32 s1, $0x11  }
0xbb: {  	s0 =	sor.u32 s1, s0  }
0xbc: {  	s0 =	sadd.s32 $0x8F2B, s0  }
0xbd: {  	[sflag:s0] =	ssyncadd.remote.s32 $0x1  }
0xbe: {  	_ =	sfence.sel $0xFFFF  }
0xbf: {  	[dreg:$0x0] =	wrdreg $0xFFFFFFFF;
	(pc) =	sbr.abs _section_cstart, $3  }
0xc0: {  	[dreg:$0x1] =	wrdreg $0xFFFFFFFF  }
0xc1: {  	_ =	task.clear_ibuf [dreg:s7], $0x2FFFF;
	_ =	strace $0x9FFFFFFF  }
0xc2: {  	(tm) =	ssettm $0x7FFFFFFF  }
0xc3: {  	_ =	shalt  }
tec
execute0_lowered:
.L_overlay_start_1:
0x0: {  	(tag) =	ssettag $0x1  }
0x1: {  	v2 =	vlaneseq.u32  }
0x2: {  	s6 =	rddreg [dreg:$0x0];
	s2 =	simm.s32 $0x0;
	v15 =	vmul.u32 $0x400, v2  }
0x3: {  	[smem:$0x7FF] =	sst s2;
	v7 =	vmul.u32 $0x8, v2  }
0x4: {  	s10 =	rddreg [dreg:$0x1];
	v8 =	vmul.u32 $0xD, v2;
	_ =	strace $0x80000047;
	[tilespmem:$0x1FFB0] =	vst v15  }
0x5: {  	[tilespmem:$0x1FFC0] =	vst v7  }
0x6: {  	s3 =	srdreg.scid;
	v9 =	vor.u32 $0x80, v15;
	[tilespmem:$0x1FFD0] =	vst v8  }
0x7: {  	s1 =	stileid.u32;
	s13 =	simm.s32 $0x5;
	s14 =	simm.s32 $0x80;
	v11 =	vor.u32 $0x2, v7;
	[tilespmem:$0x1FF20] =	vst v9  }
0x8: {  	s15 =	simm.s32 $0x100;
	s16 =	simm.s32 $0x4100;
	s17 =	simm.s32 $0x1;
	v2 =	vor.u32 $0x6, v7;
	[tilespmem:$0x1FF30] =	vst v11  }
0x9: {  	s18 =	simm.s32 $0x8100;
	s19 =	simm.s32 $0x400;
	s20 =	simm.s32 $0x8000;
	v3 =	vor.u32 $0x380, v15;
	[tilespmem:$0x1FF40] =	vst v2  }
0xa: {  	s21 =	simm.s32 $0x2;
	s22 =	simm.s32 $0xA100;
	s23 =	simm.s32 $0x3;
	v0 =	vor.u32 $0x5, v7;
	[tilespmem:$0x1FF50] =	vst v3  }
0xb: {  	s24 =	simm.s32 $0x4;
	s25 =	simm.s32 $0x0;
	s4 =	sand.u32 $0x1, s3;
	v4 =	vor.u32 $0x7, v7;
	[tilespmem:$0x1FF60] =	vst v0  }
0xc: {  	s31 =	sshll.u32 s1, $0x8;
	s3 =	sadd.s32 $0x400, s6;
	s5 =	sshll.u32 s4, $0x7;
	v1 =	vor.u32 $0x300, v15;
	[tilespmem:$0x1FF70] =	vst v4  }
.Ltmp0:
0xd: {  	s7 =	ssub.s32 $0x2, s4;
	s4 =	sadd.s32 $0x1A200, s6;
	v10 =	vor.u32 $0x4, v7;
	[tilespmem:$0x1FF80] =	vst v1;
	(pc) =	sbr.rel .LBB2_1-.Ltmp0, $4  }
0xe: {  	s6 =	sadd.s32 $0x19400, s6;
	s11 =	sor.u32 s5, s31;
	s8 =	sshrl.u32 s7, $0x1;
	v57 =	vor.u32 $0x280, v15;
	[tilespmem:$0x1FF90] =	vst v10  }
0xf: {  	v6 =	vor.u32 $0x100, v15;
	s5 =	sshrl.u32 s11, $0x3;
	s12 =	ssub.s32 s7, s8;
	s8 =	sor.u32 $0x2000, s11;
	[tilespmem:$0x1FFA0] =	vst v57  }
0x10: {  	v14 =	vor.u32 $0x200, v15;
	s9 =	sor.u32 $0x3000, s11;
	s10 =	sadd.s32 s10, s11;
	[tilespmem:$0x1FFE0] =	vst v6;
	s5 =	sadd.s32 s3, s5  }
0x11: {  	v16 =	vor.u32 $0x1, v7;
	v12 =	vor.u32 $0x180, v15;
	v13 =	vor.u32 $0x3, v7;
	[tilespmem:$0x1FFF0] =	vst v14;
	s11 =	smax.u32 s12, $0x1;
	s12 =	simm.s32 $0xC100;
	s7 =	sadd.s32 $0x200, s5  }
.LBB2_8:
0x12: {  	s25 =	sadd.s32 $0x1, s25  }
0x13: {  	_ =	swait.ge [sflag:s23], $0x2000;
	p0 =	sne.s32 s25, s11  }
.Ltmp1:
0x14: {  	[sflag:s23] =	ssyncset.done $0x0;
	(pc) =	sbr.rel @!p0 .LBB2_9-.Ltmp1, $4  }
0x15: {  	[sflag:s23] =	ssyncadd.s32 $0xFFFFE000  }
0x16: {  	_ =	swait.ge [sflag:s24], $0x2000  }
0x17: {  	v15 =	vmov v6;
	v12 =	vmov v63;
	[sflag:s24] =	ssyncset.done $0x0;
	v11 =	vld [tilespmem:$0x1FF30]  }
0x18: {  	v13 =	vmovc v62;
	v14 =	vmovc v61;
	v10 =	vmov v60;
	v57 =	vmov v55;
	v6 =	vmov v5;
	v9 =	vld [tilespmem:$0x1FF20];
	[sflag:s24] =	ssyncadd.s32 $0xFFFFE000  }
.LBB2_1:
0x19: {  	[tilespmem:s12], [sflag:$0x5] =	stream.linear.gather [hbm4b:s6+s2], $0x6400, $0x38;
	[tilespmem:$0x12500] =	vst v63  }
0x1a: {  	_ =	swait.ge [sflag:s13], $0x6400  }
0x1b: {  	[sflag:s13] =	ssyncset.done $0x0  }
0x1c: {  	[sflag:s13] =	ssyncadd.s32 $0xFFFF9C00  }
0x1d: {  	[tilespmem:s2], [sflag:$0x5] =	stream.linear.gather [hbm4b:s5+s2], $0x80, $0x38;
	[tilespmem:$0x12500] =	vst v63  }
0x1e: {  	_ =	swait.ge [sflag:s13], $0x80  }
0x1f: {  	[sflag:s13] =	ssyncset.done $0x0  }
0x20: {  	[sflag:s13] =	ssyncadd.s32 $0xFFFFFF80  }
0x21: {  	[tilespmem:s15], [sflag:$0x1] =	stream.indirect.gather [hbm4b:s4+s14], $0x80, s2, s14, $0xb8;
	[tilespmem:$0x12500] =	vst v63  }
0x22: {  	_ = 	snop  }
0x23: {  	[tilespmem:s14], [sflag:$0x5] =	stream.linear.gather [hbm4b:s7+s2], $0x80, $0x38;
	[tilespmem:$0x12500] =	vst v63  }
0x24: {  	_ =	swait.ge [sflag:s13], $0x80  }
0x25: {  	[sflag:s13] =	ssyncset.done $0x0  }
0x26: {  	s26 =	simm.s32 $0x0;
	[sflag:s13] =	ssyncadd.s32 $0xFFFFFF80  }
0x27: {  	[tilespmem:s16], [sflag:$0x2] =	stream.indirect.gather [hbm4b:s4+s14], $0x80, s14, s14, $0xb8;
	[tilespmem:$0x12500] =	vst v63  }
.LBB2_2:
0x28: {  	s28 =	sshll.u32 s26, $0x1;
	s29 =	simm.s32 $0x3  }
0x29: {  	s30 =	sshll.u32 s28, $0x7;
	v17 =	vadd.s32 s29, v8  }
0x2a: {  	_ =	swait.ge [sflag:s17], $0x4000;
	s29 =	simm.s32 $0x2;
	v28 =	vmov s30;
	v43 =	vand.u32 $0x3F, v17  }
0x2b: {  	p0 =	seq.s32 s26, $0x0;
	[sflag:s17] =	ssyncset.done $0x0;
	v18 =	vadd.s32 s29, v8;
	v17 =	vor.u32 v28, v43  }
0x2c: {  	[sflag:s17] =	ssyncadd.s32 $0xFFFFC000;
	s30 =	simm.s32 @!p0 $0x3;
	v20 =	vor.u32 v15, v43;
	v21 =	vand.u32 $0x3F, v18  }
0x2d: {  	_ =	swait.ge @!p0 [sflag:s30], $0x2000;
	v18 =	vor.u32 v15, v21  }
0x2e: {  	[sflag:s30] =	ssyncset.done @!p0 $0x0;
	v23 =	vor.u32 v28, v21  }
0x2f: {  	s29 =	simm.s32 $0x0;
	[sflag:s30] =	ssyncadd.s32 @!p0 $0xFFFFE000  }
0x30: {  	v22 =	vadd.s32 s29, v8;
	v19 =	vld.idx.msk [tilespmem:v17+s12+$0x0], $0xffff  }
0x31: {  	v22 =	vand.u32 $0x3F, v22;
	v17 =	vld.idx.msk [tilespmem:v20+s15+$0x0], $0xffff  }
0x32: {  	v24 =	vshll.u32 v43, $0x7;
	v20 =	vor.u32 v15, v22;
	v29 =	vld.idx.msk [tilespmem:v18+s15+$0x0], $0xffff  }
0x33: {  	v30 =	vor.u32 v7, v24;
	v27 =	vor.u32 v28, v22;
	v18 =	vld.idx.msk [tilespmem:v23+s12+$0x0], $0xffff  }
0x34: {  	v31 =	vor.u32 v9, v43;
	v26 =	vshll.u32 v21, $0x7  }
0x35: {  	s29 =	simm.s32 $0x1;
	v32 =	vor.u32 v7, v26  }
0x36: {  	v33 =	vor.u32 v9, v21;
	v23 =	vadd.f32 v17, v19;
	v17 =	vadd.s32 s29, v8  }
0x37: {  	v20 =	vld.idx.msk [tilespmem:v20+s15+$0x0], $0xffff;
	v25 =	vand.u32 $0x3F, v17  }
0x38: {  	v17 =	vld.idx.msk [tilespmem:v27+s12+$0x0], $0xffff;
	v29 =	vadd.f32 v29, v18;
	[tilespmem:v30+s18+$0x0] =	vst.idx.msk $0xffff, v23;
	v27 =	vor.u32 v15, v25  }
0x39: {  	v23 =	vshll.u32 v22, $0x7;
	v30 =	vld.idx.msk [tilespmem:v31+s15+$0x0], $0xffff;
	v31 =	vor.u32 v28, v25  }
0x3a: {  	v34 =	vor.u32 v7, v23;
	[tilespmem:v32+s18+$0x0] =	vst.idx.msk $0xffff, v29  }
0x3b: {  	v35 =	vor.u32 v9, v22;
	v29 =	vor.u32 v16, v24;
	v32 =	vld.idx.msk [tilespmem:v33+s15+$0x0], $0xffff;
	_ =	sdelay $0x1  }
0x3c: {  	v42 =	vor.u32 v6, v43;
	v38 =	vor.u32 v16, v26;
	v36 =	vadd.f32 v20, v17;
	v37 =	vld.idx.msk [tilespmem:v27+s15+$0x0], $0xffff  }
0x3d: {  	v30 =	vadd.f32 v30, v19;
	v20 =	vld.idx.msk [tilespmem:v31+s12+$0x0], $0xffff;
	v31 =	vor.u32 v6, v21  }
0x3e: {  	v27 =	vshll.u32 v25, $0x7;
	[tilespmem:v34+s18+$0x0] =	vst.idx.msk $0xffff, v36  }
0x3f: {  	v34 =	vld.idx.msk [tilespmem:v35+s15+$0x0], $0xffff;
	[tilespmem:v29+s18+$0x0] =	vst.idx.msk $0xffff, v30;
	v29 =	vor.u32 v7, v27;
	v30 =	vadd.f32 v32, v18  }
0x40: {  	v45 =	vor.u32 v9, v25  }
0x41: {  	v46 =	vor.u32 v16, v23;
	v44 =	vld.idx.msk [tilespmem:v42+s15+$0x0], $0xffff;
	[tilespmem:v38+s18+$0x0] =	vst.idx.msk $0xffff, v30  }
0x42: {  	v30 =	vor.u32 v6, v22;
	v37 =	vadd.f32 v37, v20;
	v31 =	vld.idx.msk [tilespmem:v31+s15+$0x0], $0xffff  }
0x43: {  	v48 =	vor.u32 v12, v43;
	v47 =	vor.u32 v11, v24  }
0x44: {  	v49 =	vor.u32 v11, v26;
	v34 =	vadd.f32 v34, v17;
	[tilespmem:v29+s18+$0x0] =	vst.idx.msk $0xffff, v37  }
0x45: {  	v51 =	vor.u32 v12, v21;
	v50 =	vld.idx.msk [tilespmem:v45+s15+$0x0], $0xffff  }
0x46: {  	v29 =	vadd.f32 v44, v19;
	[tilespmem:v46+s18+$0x0] =	vst.idx.msk $0xffff, v34  }
0x47: {  	s29 =	simm.s32 $0x4;
	v52 =	vor.u32 v16, v27;
	v30 =	vld.idx.msk [tilespmem:v30+s15+$0x0], $0xffff;
	v31 =	vadd.f32 v31, v18  }
0x48: {  	s31 =	simm.s32 $0x6;
	v58 =	vadd.s32 s29, v8;
	s29 =	simm.s32 $0x5;
	v54 =	vor.u32 v6, v25;
	[tilespmem:v47+s18+$0x0] =	vst.idx.msk $0xffff, v29  }
0x49: {  	v59 =	vadd.s32 s29, v8;
	v39 =	vor.u32 v11, v23;
	v53 =	vld.idx.msk [tilespmem:v48+s15+$0x0], $0xffff;
	v48 =	vadd.s32 s31, v8;
	[tilespmem:v49+s18+$0x0] =	vst.idx.msk $0xffff, v31  }
0x4a: {  	v31 =	vor.u32 v12, v22;
	v37 =	vand.u32 $0x3F, v48;
	v32 =	vadd.f32 v50, v20;
	v33 =	vld.idx.msk [tilespmem:v51+s15+$0x0], $0xffff  }
0x4b: {  	v55 =	vor.u32 v13, v26;
	v41 =	vand.u32 $0x3F, v59;
	v60 =	vor.u32 v15, v37  }
0x4c: {  	v50 =	vor.u32 v15, v41;
	v30 =	vadd.f32 v30, v17;
	[tilespmem:v52+s18+$0x0] =	vst.idx.msk $0xffff, v32  }
0x4d: {  	v40 =	vor.u32 v14, v21;
	s29 =	simm.s32 $0x7;
	v47 =	vor.u32 v13, v24;
	v46 =	vld.idx.msk [tilespmem:v54+s15+$0x0], $0xffff  }
0x4e: {  	v44 =	vor.u32 v14, v43;
	v45 =	vor.u32 v11, v27;
	[tilespmem:v39+s18+$0x0] =	vst.idx.msk $0xffff, v30;
	v30 =	vadd.s32 s29, v8  }
0x4f: {  	v34 =	vor.u32 v28, v37;
	v31 =	vld.idx.msk [tilespmem:v31+s15+$0x0], $0xffff;
	v30 =	vand.u32 $0x3F, v30;
	v33 =	vadd.f32 v33, v18  }
0x50: {  	v56 =	vadd.f32 v53, v19;
	v61 =	vor.u32 v28, v30;
	v53 =	vld.idx.msk [tilespmem:v60+s15+$0x0], $0xffff  }
0x51: {  	v59 =	vor.u32 v9, v41;
	v42 =	vor.u32 v12, v25;
	v50 =	vld.idx.msk [tilespmem:v50+s15+$0x0], $0xffff;
	[tilespmem:v55+s18+$0x0] =	vst.idx.msk $0xffff, v33  }
0x52: {  	v51 =	vor.u32 v15, v30;
	[tilespmem:v47+s18+$0x0] =	vst.idx.msk $0xffff, v56;
	v62 =	vadd.f32 v46, v20;
	v63 =	vld.idx.msk [tilespmem:v40+s15+$0x0], $0xffff  }
0x53: {  	v38 =	vand.u32 $0x3F, v58;
	v49 =	vor.u32 v28, v41;
	v52 =	vor.u32 v13, v23;
	v44 =	vld.idx.msk [tilespmem:v44+s15+$0x0], $0xffff  }
0x54: {  	v48 =	vor.u32 v15, v38;
	v32 =	vld.idx.msk [tilespmem:v34+s12+$0x0], $0xffff;
	[tilespmem:v45+s18+$0x0] =	vst.idx.msk $0xffff, v62;
	v45 =	vor.u32 v10, v26  }
0x55: {  	v35 =	vshll.u32 v37, $0x7;
	v54 =	vor.u32 v57, v21;
	v56 =	vor.u32 v10, v24;
	v33 =	vld.idx.msk [tilespmem:v61+s12+$0x0], $0xffff  }
0x56: {  	v60 =	vor.u32 v14, v22;
	v31 =	vadd.f32 v31, v17;
	v61 =	vor.u32 v13, v27;
	v55 =	vld.idx.msk [tilespmem:v42+s15+$0x0], $0xffff  }
0x57: {  	v51 =	vld.idx.msk [tilespmem:v51+s15+$0x0], $0xffff;
	v62 =	vor.u32 v7, v35;
	v42 =	vshll.u32 v30, $0x7;
	v46 =	vadd.f32 v63, v18  }
0x58: {  	[tilespmem:v52+s18+$0x0] =	vst.idx.msk $0xffff, v31;
	v52 =	vor.u32 v57, v43;
	v31 =	vld.idx.msk [tilespmem:v49+s12+$0x0], $0xffff;
	v44 =	vadd.f32 v44, v19  }
0x59: {  	v40 =	vshll.u32 v41, $0x7;
	v49 =	vor.u32 v7, v42;
	[tilespmem:v45+s18+$0x0] =	vst.idx.msk $0xffff, v46;
	v45 =	vor.u32 v14, v25  }
0x5a: {  	v48 =	vld.idx.msk [tilespmem:v48+s15+$0x0], $0xffff;
	v47 =	vor.u32 v28, v38;
	v58 =	vor.u32 v7, v40;
	v53 =	vadd.f32 v53, v32  }
0x5b: {  	[tilespmem:v56+s18+$0x0] =	vst.idx.msk $0xffff, v44;
	v63 =	vadd.f32 v55, v20;
	v54 =	vld.idx.msk [tilespmem:v54+s15+$0x0], $0xffff;
	v55 =	vor.u32 v9, v30  }
0x5c: {  	v29 =	vor.u32 v3, v43;
	v56 =	vld.idx.msk [tilespmem:v60+s15+$0x0], $0xffff;
	v51 =	vadd.f32 v51, v33;
	[tilespmem:v62+s18+$0x0] =	vst.idx.msk $0xffff, v53  }
0x5d: {  	v60 =	vor.u32 v0, v26;
	v52 =	vld.idx.msk [tilespmem:v52+s15+$0x0], $0xffff;
	v50 =	vadd.f32 v50, v31;
	[tilespmem:v61+s18+$0x0] =	vst.idx.msk $0xffff, v63  }
0x5e: {  	v39 =	vshll.u32 v38, $0x7;
	[tilespmem:v49+s18+$0x0] =	vst.idx.msk $0xffff, v51;
	v51 =	vor.u32 v10, v23;
	v61 =	vld.idx.msk [tilespmem:v45+s15+$0x0], $0xffff  }
0x5f: {  	v2 =	vor.u32 v7, v39;
	[tilespmem:v58+s18+$0x0] =	vst.idx.msk $0xffff, v50;
	v58 =	vor.u32 v0, v24;
	v45 =	vld.idx.msk [tilespmem:v47+s12+$0x0], $0xffff  }
0x60: {  	v62 =	vor.u32 v10, v27;
	v49 =	vor.u32 v9, v37;
	v47 =	vadd.f32 v54, v18;
	v54 =	vld.idx.msk [tilespmem:v55+s15+$0x0], $0xffff  }
0x61: {  	v55 =	vor.u32 v1, v43;
	v43 =	vadd.f32 v56, v17;
	v56 =	vor.u32 v57, v25  }
0x62: {  	[tilespmem:v60+s18+$0x0] =	vst.idx.msk $0xffff, v47;
	v47 =	vadd.f32 v52, v19;
	v52 =	vor.u32 v16, v42  }
0x63: {  	v63 =	vld.idx.msk [tilespmem:v59+s15+$0x0], $0xffff;
	[tilespmem:v51+s18+$0x0] =	vst.idx.msk $0xffff, v43;
	v61 =	vadd.f32 v61, v20  }
0x64: {  	v50 =	vor.u32 v1, v21;
	[tilespmem:v58+s18+$0x0] =	vst.idx.msk $0xffff, v47;
	v48 =	vadd.f32 v48, v45  }
0x65: {  	v53 =	vor.u32 v57, v22;
	v54 =	vadd.f32 v54, v33;
	[tilespmem:v62+s18+$0x0] =	vst.idx.msk $0xffff, v61  }
0x66: {  	v5 =	vld.idx.msk [tilespmem:v49+s15+$0x0], $0xffff;
	[tilespmem:v2+s18+$0x0] =	vst.idx.msk $0xffff, v48  }
0x67: {  	v60 =	vor.u32 v9, v38;
	v51 =	vld.idx.msk [tilespmem:v56+s15+$0x0], $0xffff;
	[tilespmem:v52+s18+$0x0] =	vst.idx.msk $0xffff, v54  }
0x68: {  	v57 =	vor.u32 v6, v30;
	v56 =	vadd.f32 v63, v31;
	v63 =	vld [tilespmem:$0x1FF40]  }
0x69: {  	v36 =	vor.u32 v0, v27;
	v34 =	vor.u32 v4, v23;
	v49 =	vld.idx.msk [tilespmem:v50+s15+$0x0], $0xffff  }
0x6a: {  	v44 =	vor.u32 v3, v30;
	v46 =	vor.u32 v0, v40;
	v59 =	vor.u32 v6, v37;
	v53 =	vld.idx.msk [tilespmem:v53+s15+$0x0], $0xffff  }
0x6b: {  	v43 =	vor.u32 v4, v26;
	v47 =	vor.u32 v4, v27;
	v58 =	vor.u32 v16, v35;
	v50 =	vld.idx.msk [tilespmem:v55+s15+$0x0], $0xffff  }
0x6c: {  	v15 =	vmovc v16;
	v16 =	vmov v9;
	v55 =	vor.u32 v0, v23;
	v48 =	vor.u32 v3, v25;
	v60 =	vld.idx.msk [tilespmem:v60+s15+$0x0], $0xffff  }
0x6d: {  	s29 =	simm.s32 $0x8;
	v61 =	vadd.f32 v5, v32;
	v52 =	vor.u32 v1, v22;
	v57 =	vld.idx.msk [tilespmem:v57+s15+$0x0], $0xffff;
	v54 =	vor.u32 v63, v24  }
.LBB2_3:
0x6e: {  	v10 =	vld [tilespmem:$0x1FF50];
	_ =	sdelay $0x1  }
0x6f: {  	v7 =	vld [tilespmem:$0x1FF80]  }
0x70: {  	v8 =	vld [tilespmem:$0x1FF40];
	[tilespmem:v58+s18+$0x0] =	vst.idx.msk $0xffff, v61;
	v58 =	vor.u32 v11, v42;
	v1 =	vadd.f32 v53, v17  }
0x71: {  	v53 =	vld.idx.msk [tilespmem:v59+s15+$0x0], $0xffff;
	v50 =	vadd.f32 v50, v19;
	v59 =	vor.u32 v12, v30;
	v51 =	vadd.f32 v51, v20  }
0x72: {  	v3 =	vadd.f32 v60, v45;
	v62 =	vor.u32 v10, v22;
	v22 =	vmovc v38;
	v38 =	vor.u32 v15, v39  }
0x73: {  	v57 =	vadd.f32 v57, v33;
	v60 =	vor.u32 v15, v40;
	v2 =	vor.u32 v6, v22  }
0x74: {  	v63 =	vor.u32 v7, v25;
	v0 =	vor.u32 v10, v21;
	[tilespmem:v55+s18+$0x0] =	vst.idx.msk $0xffff, v1;
	v21 =	vmov v37  }
0x75: {  	v55 =	vor.u32 v8, v27;
	[tilespmem:v54+s18+$0x0] =	vst.idx.msk $0xffff, v50;
	v27 =	vor.u32 v11, v35;
	v52 =	vld.idx.msk [tilespmem:v52+s15+$0x0], $0xffff  }
0x76: {  	v26 =	vor.u32 v8, v26;
	v29 =	vld.idx.msk [tilespmem:v29+s15+$0x0], $0xffff;
	v61 =	vor.u32 v12, v21;
	[tilespmem:v58+s18+$0x0] =	vst.idx.msk $0xffff, v57  }
0x77: {  	v25 =	vmov v41;
	v54 =	vld.idx.msk [tilespmem:v59+s15+$0x0], $0xffff;
	[tilespmem:v38+s18+$0x0] =	vst.idx.msk $0xffff, v3  }
0x78: {  	[tilespmem:v36+s18+$0x0] =	vst.idx.msk $0xffff, v51;
	v53 =	vadd.f32 v53, v32;
	v41 =	vld.idx.msk [tilespmem:v2+s15+$0x0], $0xffff;
	v2 =	vor.u32 v6, v25  }
0x79: {  	v1 =	vld.idx.msk [tilespmem:v63+s15+$0x0], $0xffff;
	v3 =	vor.u32 v8, v23;
	[tilespmem:v60+s18+$0x0] =	vst.idx.msk $0xffff, v56;
	v60 =	vadd.f32 v49, v18  }
0x7a: {  	v9 =	vmov v6;
	[tilespmem:v27+s18+$0x0] =	vst.idx.msk $0xffff, v53;
	v6 =	vld [tilespmem:$0x1FF70]  }
0x7b: {  	v27 =	vmov v40;
	v40 =	vld.idx.msk [tilespmem:v61+s15+$0x0], $0xffff;
	[tilespmem:v26+s18+$0x0] =	vst.idx.msk $0xffff, v60  }
0x7c: {  	v23 =	vmov v39;
	v52 =	vadd.f32 v52, v17;
	v0 =	vld.idx.msk [tilespmem:v0+s15+$0x0], $0xffff  }
0x7d: {  	v57 =	vor.u32 v12, v25;
	v58 =	vor.u32 v14, v21;
	v39 =	vor.u32 v11, v23;
	v49 =	vld.idx.msk [tilespmem:v2+s15+$0x0], $0xffff  }
0x7e: {  	v59 =	vor.u32 v14, v30;
	[tilespmem:v3+s18+$0x0] =	vst.idx.msk $0xffff, v52;
	v52 =	vor.u32 v13, v35;
	v2 =	vld [tilespmem:$0x1FFD0]  }
0x7f: {  	v19 =	vadd.f32 v29, v19;
	v29 =	vor.u32 v12, v22;
	v61 =	vadd.f32 v1, v20;
	v63 =	vld.idx.msk [tilespmem:v62+s15+$0x0], $0xffff  }
0x80: {  	v53 =	vadd.f32 v54, v33;
	v24 =	vor.u32 v6, v24;
	v41 =	vadd.f32 v41, v45  }
0x81: {  	s30 =	smov.u32 s29;
	v54 =	vor.u32 v13, v42;
	v1 =	vld [tilespmem:$0x1FFB0];
	[tilespmem:v55+s18+$0x0] =	vst.idx.msk $0xffff, v61;
	v61 =	vadd.f32 v40, v32  }
0x82: {  	s31 =	sadd.s32 $0x1, s30;
	v50 =	vor.u32 v11, v27;
	v48 =	vld.idx.msk [tilespmem:v48+s15+$0x0], $0xffff;
	[tilespmem:v39+s18+$0x0] =	vst.idx.msk $0xffff, v41;
	v0 =	vadd.f32 v0, v18  }
0x83: {  	s0 =	sadd.s32 $0x2, s30;
	[tilespmem:v52+s18+$0x0] =	vst.idx.msk $0xffff, v61;
	v61 =	vor.u32 v14, v25;
	v4 =	vadd.s32 s30, v2;
	v56 =	vadd.s32 s31, v2  }
0x84: {  	v36 =	vmovc v46;
	v26 =	vmovc v35;
	v60 =	vld.idx.msk [tilespmem:v29+s15+$0x0], $0xffff;
	s30 =	sadd.s32 $0x3, s30;
	v3 =	vadd.s32 s0, v2;
	v51 =	vadd.f32 v63, v17;
	v38 =	vand.u32 $0x3F, v4  }
0x85: {  	v5 =	vld [tilespmem:$0x1FF60];
	v29 =	vmovc v44;
	[tilespmem:v24+s18+$0x0] =	vst.idx.msk $0xffff, v19;
	v19 =	vmovc v33;
	v41 =	vand.u32 $0x3F, v56;
	v37 =	vand.u32 $0x3F, v3;
	v63 =	vadd.s32 s30, v2  }
0x86: {  	v2 =	vadd.f32 v49, v31;
	v49 =	vld.idx.msk [tilespmem:v58+s15+$0x0], $0xffff;
	[tilespmem:v54+s18+$0x0] =	vst.idx.msk $0xffff, v53;
	v33 =	vor.u32 v1, v38  }
0x87: {  	v24 =	vmovc v42;
	v54 =	vor.u32 v13, v23;
	v4 =	vld [tilespmem:$0x1FF90];
	v62 =	vor.u32 v1, v37;
	v3 =	vadd.f32 v48, v20  }
0x88: {  	v17 =	vmovc v45;
	v42 =	vor.u32 v28, v41;
	v44 =	vor.u32 v1, v41;
	v52 =	vand.u32 $0x3F, v63;
	v56 =	vld.idx.msk [tilespmem:v59+s15+$0x0], $0xffff  }
0x89: {  	v20 =	vmov v31;
	v31 =	vor.u32 v28, v52;
	v48 =	vor.u32 v1, v52;
	v1 =	vld [tilespmem:$0x1FFC0];
	[tilespmem:v47+s18+$0x0] =	vst.idx.msk $0xffff, v3  }
0x8a: {  	v55 =	vor.u32 v28, v37;
	v45 =	vor.u32 v28, v38;
	v40 =	vshll.u32 v41, $0x7;
	[tilespmem:v50+s18+$0x0] =	vst.idx.msk $0xffff, v2;
	v2 =	vld [tilespmem:$0x1FFA0]  }
0x8b: {  	v18 =	vmovc v32;
	v39 =	vshll.u32 v38, $0x7;
	v32 =	vadd.f32 v60, v17;
	v46 =	vor.u32 v5, v40;
	v53 =	vld.idx.msk [tilespmem:v33+s15+$0x0], $0xffff  }
0x8c: {  	v3 =	vor.u32 v7, v30;
	v47 =	vor.u32 v4, v26;
	v58 =	vld.idx.msk [tilespmem:v62+s15+$0x0], $0xffff;
	[tilespmem:v43+s18+$0x0] =	vst.idx.msk $0xffff, v0  }
0x8d: {  	v59 =	vor.u32 v4, v24;
	v43 =	vld.idx.msk [tilespmem:v57+s15+$0x0], $0xffff;
	[tilespmem:v34+s18+$0x0] =	vst.idx.msk $0xffff, v51;
	v51 =	vor.u32 v16, v41  }
0x8e: {  	v34 =	vor.u32 v14, v22;
	v57 =	vor.u32 v13, v27;
	v56 =	vadd.f32 v56, v19;
	v33 =	vld.idx.msk [tilespmem:v31+s12+$0x0], $0xffff  }
0x8f: {  	v62 =	vor.u32 v16, v52;
	v31 =	vadd.f32 v49, v18;
	v48 =	vld.idx.msk [tilespmem:v48+s15+$0x0], $0xffff;
	v50 =	vor.u32 v2, v21  }
0x90: {  	v0 =	vor.u32 v1, v39;
	v60 =	vor.u32 v1, v40;
	[tilespmem:v54+s18+$0x0] =	vst.idx.msk $0xffff, v32;
	v54 =	vld.idx.msk [tilespmem:v44+s15+$0x0], $0xffff  }
0x91: {  	v35 =	vshll.u32 v37, $0x7;
	[tilespmem:v47+s18+$0x0] =	vst.idx.msk $0xffff, v31;
	v47 =	vor.u32 v2, v30;
	v31 =	vld.idx.msk [tilespmem:v42+s12+$0x0], $0xffff;
	v42 =	vshll.u32 v52, $0x7  }
0x92: {  	v49 =	vor.u32 v1, v35;
	v44 =	vor.u32 v10, v52;
	v32 =	vld.idx.msk [tilespmem:v55+s12+$0x0], $0xffff;
	v55 =	vor.u32 v1, v42  }
0x93: {  	[tilespmem:v59+s18+$0x0] =	vst.idx.msk $0xffff, v56;
	v59 =	vor.u32 v2, v22;
	v30 =	vmov v52;
	v56 =	vld.idx.msk [tilespmem:v34+s15+$0x0], $0xffff  }
0x94: {  	v52 =	vor.u32 v16, v38;
	v63 =	vadd.f32 v43, v20;
	v34 =	vor.u32 v6, v23;
	v50 =	vld.idx.msk [tilespmem:v50+s15+$0x0], $0xffff  }
0x95: {  	v1 =	vor.u32 v2, v25;
	v2 =	vor.u32 v7, v21;
	v48 =	vadd.f32 v48, v33  }
0x96: {  	[tilespmem:v57+s18+$0x0] =	vst.idx.msk $0xffff, v63;
	v57 =	vor.u32 v16, v37;
	v63 =	vor.u32 v5, v26;
	v47 =	vld.idx.msk [tilespmem:v47+s15+$0x0], $0xffff  }
0x97: {  	v61 =	vld.idx.msk [tilespmem:v61+s15+$0x0], $0xffff;
	v54 =	vadd.f32 v54, v31;
	[tilespmem:v55+s18+$0x0] =	vst.idx.msk $0xffff, v48;
	v48 =	vor.u32 v4, v23  }
0x98: {  	v45 =	vld.idx.msk [tilespmem:v45+s12+$0x0], $0xffff;
	v43 =	vor.u32 v6, v26;
	v55 =	vadd.f32 v58, v32;
	v58 =	vor.u32 v5, v24  }
0x99: {  	v62 =	vld.idx.msk [tilespmem:v62+s15+$0x0], $0xffff;
	[tilespmem:v60+s18+$0x0] =	vst.idx.msk $0xffff, v54;
	v54 =	vor.u32 v4, v27;
	v50 =	vadd.f32 v50, v18  }
0x9a: {  	v4 =	vld.idx.msk [tilespmem:v51+s15+$0x0], $0xffff;
	[tilespmem:v49+s18+$0x0] =	vst.idx.msk $0xffff, v55;
	v49 =	vadd.f32 v56, v17;
	v55 =	vor.u32 v15, v42  }
0x9b: {  	v57 =	vld.idx.msk [tilespmem:v57+s15+$0x0], $0xffff;
	v56 =	vadd.f32 v47, v19;
	v47 =	vor.u32 v6, v27;
	[tilespmem:v63+s18+$0x0] =	vst.idx.msk $0xffff, v50  }
0x9c: {  	p1 =	slt.u32 s29, $0x3C;
	v63 =	vor.u32 v9, v30;
	[tilespmem:v48+s18+$0x0] =	vst.idx.msk $0xffff, v49;
	v48 =	vadd.f32 v61, v20;
	v49 =	vld.idx.msk [tilespmem:v2+s15+$0x0], $0xffff  }
.Ltmp2:
0x9d: {  	v6 =	vmov v9;
	v2 =	vadd.f32 v53, v45;
	v53 =	vld.idx.msk [tilespmem:v59+s15+$0x0], $0xffff;
	[tilespmem:v58+s18+$0x0] =	vst.idx.msk $0xffff, v56;
	(pc) =	sbr.rel @p1 .LBB2_3-.Ltmp2, $4  }
0x9e: {  	v58 =	vor.u32 v15, v35;
	v61 =	vadd.f32 v62, v33;
	[tilespmem:v54+s18+$0x0] =	vst.idx.msk $0xffff, v48;
	v50 =	vld.idx.msk [tilespmem:v3+s15+$0x0], $0xffff  }
0x9f: {  	v59 =	vor.u32 v9, v37;
	v48 =	vor.u32 v10, v25;
	[tilespmem:v0+s18+$0x0] =	vst.idx.msk $0xffff, v2;
	v51 =	vld.idx.msk [tilespmem:v1+s15+$0x0], $0xffff  }
0xa0: {  	v56 =	vadd.f32 v4, v31;
	v54 =	vor.u32 v8, v24;
	[tilespmem:v55+s18+$0x0] =	vst.idx.msk $0xffff, v61;
	v60 =	vld.idx.msk [tilespmem:v52+s15+$0x0], $0xffff  }
0xa1: {  	s29 =	sadd.s32 $0x4, s29;
	v55 =	vor.u32 v5, v23;
	v61 =	vadd.f32 v57, v32;
	v52 =	vor.u32 v7, v22;
	v57 =	vld.idx.msk [tilespmem:v63+s15+$0x0], $0xffff  }
0xa2: {  	v0 =	vor.u32 v15, v40  }
0xa3: {  	v1 =	vor.u32 v6, v41;
	_ =	sdelay $0x1  }
0xa4: {  	v2 =	vor.u32 v15, v39;
	_ =	sdelay $0x1  }
0xa5: {  	[tilespmem:v0+s18+$0x0] =	vst.idx.msk $0xffff, v56  }
0xa6: {  	[tilespmem:v58+s18+$0x0] =	vst.idx.msk $0xffff, v61;
	v4 =	vadd.f32 v60, v45;
	v0 =	vld.idx.msk [tilespmem:v1+s15+$0x0], $0xffff  }
0xa7: {  	v3 =	vor.u32 v6, v38;
	v28 =	vor.u32 v11, v42;
	v1 =	vld.idx.msk [tilespmem:v59+s15+$0x0], $0xffff  }
0xa8: {  	[tilespmem:v2+s18+$0x0] =	vst.idx.msk $0xffff, v4;
	v2 =	vor.u32 v12, v30;
	v4 =	vor.u32 v11, v40  }
0xa9: {  	v58 =	vor.u32 v12, v41;
	v56 =	vor.u32 v11, v35  }
0xaa: {  	v57 =	vadd.f32 v57, v33;
	v59 =	vor.u32 v12, v37  }
0xab: {  	v0 =	vadd.f32 v0, v31  }
0xac: {  	v3 =	vld.idx.msk [tilespmem:v3+s15+$0x0], $0xffff;
	[tilespmem:v28+s18+$0x0] =	vst.idx.msk $0xffff, v57;
	v1 =	vadd.f32 v1, v32  }
0xad: {  	v2 =	vld.idx.msk [tilespmem:v2+s15+$0x0], $0xffff;
	[tilespmem:v4+s18+$0x0] =	vst.idx.msk $0xffff, v0  }
0xae: {  	v60 =	vor.u32 v11, v39;
	[tilespmem:v56+s18+$0x0] =	vst.idx.msk $0xffff, v1;
	v0 =	vld.idx.msk [tilespmem:v58+s15+$0x0], $0xffff  }
0xaf: {  	v4 =	vor.u32 v13, v42;
	v1 =	vld.idx.msk [tilespmem:v59+s15+$0x0], $0xffff  }
0xb0: {  	v56 =	vor.u32 v13, v40  }
0xb1: {  	v61 =	vor.u32 v12, v38;
	v57 =	vor.u32 v13, v35;
	v3 =	vadd.f32 v3, v45  }
0xb2: {  	v2 =	vadd.f32 v2, v33  }
0xb3: {  	[tilespmem:v60+s18+$0x0] =	vst.idx.msk $0xffff, v3;
	v0 =	vadd.f32 v0, v31  }
0xb4: {  	[tilespmem:v4+s18+$0x0] =	vst.idx.msk $0xffff, v2;
	v1 =	vadd.f32 v1, v32  }
0xb5: {  	v3 =	vor.u32 v14, v30;
	[tilespmem:v56+s18+$0x0] =	vst.idx.msk $0xffff, v0  }
0xb6: {  	v28 =	vld.idx.msk [tilespmem:v61+s15+$0x0], $0xffff;
	v58 =	vor.u32 v14, v41;
	[tilespmem:v57+s18+$0x0] =	vst.idx.msk $0xffff, v1  }
0xb7: {  	v62 =	vld [tilespmem:$0x1FF90]  }
0xb8: {  	v60 =	vor.u32 v13, v39;
	v59 =	vor.u32 v14, v37;
	_ =	sdelay $0x1  }
0xb9: {  	v3 =	vld.idx.msk [tilespmem:v3+s15+$0x0], $0xffff  }
0xba: {  	v2 =	vadd.f32 v28, v45;
	v0 =	vld.idx.msk [tilespmem:v58+s15+$0x0], $0xffff  }
0xbb: {  	v4 =	vor.u32 v62, v42  }
0xbc: {  	v61 =	vor.u32 v14, v38;
	v1 =	vld.idx.msk [tilespmem:v59+s15+$0x0], $0xffff;
	[tilespmem:v60+s18+$0x0] =	vst.idx.msk $0xffff, v2;
	v56 =	vor.u32 v62, v40  }
0xbd: {  	v53 =	vadd.f32 v53, v17;
	v9 =	vld [tilespmem:$0x1FFA0]  }
0xbe: {  	v3 =	vadd.f32 v3, v33  }
0xbf: {  	[tilespmem:v55+s18+$0x0] =	vst.idx.msk $0xffff, v53;
	v57 =	vor.u32 v62, v35;
	v0 =	vadd.f32 v0, v31  }
0xc0: {  	[tilespmem:v4+s18+$0x0] =	vst.idx.msk $0xffff, v3  }
0xc1: {  	v28 =	vld.idx.msk [tilespmem:v61+s15+$0x0], $0xffff;
	[tilespmem:v56+s18+$0x0] =	vst.idx.msk $0xffff, v0  }
0xc2: {  	v1 =	vadd.f32 v1, v32;
	v58 =	vor.u32 v9, v41;
	v10 =	vld [tilespmem:$0x1FF50]  }
0xc3: {  	v60 =	vor.u32 v62, v39;
	v2 =	vor.u32 v9, v30;
	v61 =	vld [tilespmem:$0x1FF80]  }
0xc4: {  	[tilespmem:v57+s18+$0x0] =	vst.idx.msk $0xffff, v1  }
0xc5: {  	v63 =	vld [tilespmem:$0x1FF60]  }
0xc6: {  	v59 =	vor.u32 v9, v37;
	v56 =	vadd.f32 v28, v45  }
0xc7: {  	v53 =	vor.u32 v9, v38;
	v1 =	vld.idx.msk [tilespmem:v58+s15+$0x0], $0xffff;
	v4 =	vor.u32 v10, v22;
	v22 =	vadd.f32 v50, v19  }
0xc8: {  	v2 =	vld.idx.msk [tilespmem:v2+s15+$0x0], $0xffff;
	[tilespmem:v60+s18+$0x0] =	vst.idx.msk $0xffff, v56;
	v0 =	vor.u32 v61, v25;
	v25 =	vadd.f32 v51, v20  }
0xc9: {  	[tilespmem:v54+s18+$0x0] =	vst.idx.msk $0xffff, v22  }
0xca: {  	v50 =	vor.u32 v63, v42;
	[tilespmem:v36+s18+$0x0] =	vst.idx.msk $0xffff, v25  }
0xcb: {  	v7 =	vld [tilespmem:$0x1FF40]  }
0xcc: {  	v28 =	vld.idx.msk [tilespmem:v59+s15+$0x0], $0xffff;
	v1 =	vadd.f32 v1, v31  }
0xcd: {  	v56 =	vor.u32 v10, v21;
	v21 =	vor.u32 v61, v30;
	v2 =	vadd.f32 v2, v33;
	v22 =	vld.idx.msk [tilespmem:v53+s15+$0x0], $0xffff  }
0xce: {  	v25 =	vor.u32 v63, v35;
	[tilespmem:v46+s18+$0x0] =	vst.idx.msk $0xffff, v1  }
0xcf: {  	v57 =	vor.u32 v61, v37;
	v58 =	vor.u32 v63, v39;
	v0 =	vld.idx.msk [tilespmem:v0+s15+$0x0], $0xffff;
	[tilespmem:v50+s18+$0x0] =	vst.idx.msk $0xffff, v2  }
0xd0: {  	v55 =	vmov v6;
	v30 =	vor.u32 v61, v41;
	v6 =	vld [tilespmem:$0x1FF70];
	v26 =	vor.u32 v7, v26  }
0xd1: {  	v52 =	vld.idx.msk [tilespmem:v52+s15+$0x0], $0xffff;
	v59 =	vor.u32 v61, v38;
	v28 =	vadd.f32 v28, v32;
	v27 =	vor.u32 v7, v27  }
0xd2: {  	v21 =	vld.idx.msk [tilespmem:v21+s15+$0x0], $0xffff;
	v22 =	vadd.f32 v22, v45  }
0xd3: {  	v29 =	vld.idx.msk [tilespmem:v29+s15+$0x0], $0xffff;
	[tilespmem:v25+s18+$0x0] =	vst.idx.msk $0xffff, v28;
	v60 =	vor.u32 v7, v23;
	v23 =	vadd.f32 v49, v18  }
0xd4: {  	v25 =	vld.idx.msk [tilespmem:v57+s15+$0x0], $0xffff;
	v28 =	vor.u32 v7, v42;
	[tilespmem:v58+s18+$0x0] =	vst.idx.msk $0xffff, v22;
	v0 =	vadd.f32 v0, v20  }
0xd5: {  	v53 =	vor.u32 v10, v37;
	v50 =	vor.u32 v6, v24;
	v24 =	vld.idx.msk [tilespmem:v30+s15+$0x0], $0xffff;
	[tilespmem:v26+s18+$0x0] =	vst.idx.msk $0xffff, v23  }
0xd6: {  	v22 =	vadd.f32 v52, v17;
	v23 =	vld.idx.msk [tilespmem:v59+s15+$0x0], $0xffff;
	[tilespmem:v27+s18+$0x0] =	vst.idx.msk $0xffff, v0;
	v27 =	vor.u32 v7, v35  }
0xd7: {  	v54 =	vor.u32 v7, v39;
	v21 =	vadd.f32 v21, v33;
	v26 =	vor.u32 v7, v40;
	v30 =	vld.idx.msk [tilespmem:v48+s15+$0x0], $0xffff  }
0xd8: {  	v19 =	vadd.f32 v29, v19;
	v52 =	vor.u32 v10, v41;
	[tilespmem:v60+s18+$0x0] =	vst.idx.msk $0xffff, v22;
	v56 =	vld.idx.msk [tilespmem:v56+s15+$0x0], $0xffff  }
0xd9: {  	v57 =	vor.u32 v10, v38;
	v4 =	vld.idx.msk [tilespmem:v4+s15+$0x0], $0xffff;
	[tilespmem:v28+s18+$0x0] =	vst.idx.msk $0xffff, v21;
	v21 =	vadd.f32 v25, v32  }
0xda: {  	v22 =	vadd.f32 v24, v31;
	[tilespmem:v50+s18+$0x0] =	vst.idx.msk $0xffff, v19  }
0xdb: {  	v24 =	vld.idx.msk [tilespmem:v44+s15+$0x0], $0xffff;
	v23 =	vadd.f32 v23, v45;
	[tilespmem:v27+s18+$0x0] =	vst.idx.msk $0xffff, v21  }
0xdc: {  	[tilespmem:v26+s18+$0x0] =	vst.idx.msk $0xffff, v22;
	v22 =	vld.idx.msk [tilespmem:v53+s15+$0x0], $0xffff  }
0xdd: {  	v21 =	vor.u32 v6, v42;
	v20 =	vadd.f32 v30, v20;
	v0 =	vld.idx.msk [tilespmem:v52+s15+$0x0], $0xffff;
	[tilespmem:v54+s18+$0x0] =	vst.idx.msk $0xffff, v23  }
0xde: {  	v58 =	vadd.f32 v56, v18;
	v4 =	vadd.f32 v4, v17;
	v17 =	vor.u32 v6, v35;
	v3 =	vld.idx.msk [tilespmem:v57+s15+$0x0], $0xffff  }
0xdf: {  	v59 =	vor.u32 v6, v40;
	[tilespmem:v47+s18+$0x0] =	vst.idx.msk $0xffff, v20  }
0xe0: {  	v60 =	vor.u32 v6, v39;
	[tilespmem:v43+s18+$0x0] =	vst.idx.msk $0xffff, v58;
	v18 =	vadd.f32 v24, v33  }
0xe1: {  	[tilespmem:v34+s18+$0x0] =	vst.idx.msk $0xffff, v4;
	v4 =	vadd.f32 v22, v32  }
0xe2: {  	[tilespmem:v21+s18+$0x0] =	vst.idx.msk $0xffff, v18;
	v0 =	vadd.f32 v0, v31  }
0xe3: {  	v3 =	vadd.f32 v3, v45;
	[tilespmem:v17+s18+$0x0] =	vst.idx.msk $0xffff, v4  }
0xe4: {  	s0 =	sshll.u32 s26, $0x10;
	[tilespmem:v59+s18+$0x0] =	vst.idx.msk $0xffff, v0  }
0xe5: {  	p1 =	seq.s32 s26, $0x63;
	s0 =	sadd.s32 s0, s10;
	[tilespmem:v60+s18+$0x0] =	vst.idx.msk $0xffff, v3  }
0xe6: {  	[hbm4b:s0+s19] =	stream.strided.scatter [tilespmem:s18], [sflag:$0x3], $0x2000, s20, s19, $0x38;
	[tilespmem:$0x12500] =	vst v63  }
0xe7: {  	s0 =	sshll.u32 @!p1 s26, $0xD  }
0xe8: {  	s0 =	sadd.s32 @!p1 s8, s0  }
0xe9: {  	s0 =	sshrl.u32 @!p1 s0, $0x3  }
0xea: {  	s29 =	simm.s32 @!p1 $0x0;
	s0 =	sadd.s32 @!p1 s3, s0  }
0xeb: {  	[tilespmem:s29], [sflag:$0x5] =	stream.linear.gather @!p1 [hbm4b:s0+s29], $0x80, $0x38;
	[tilespmem:$0x12500] =	vst v63  }
0xec: {  	s0 =	simm.s32 @!p1 $0x5  }
0xed: {  	_ =	swait.ge @!p1 [sflag:s0], $0x80  }
0xee: {  	[sflag:s0] =	ssyncset.done @!p1 $0x0;
	v8 =	vld [tilespmem:$0x1FFD0]  }
0xef: {  	s30 =	simm.s32 @!p1 $0x100;
	[sflag:s0] =	ssyncadd.s32 @!p1 $0xFFFFFF80;
	s0 =	simm.s32 @!p1 $0x80  }
0xf0: {  	[tilespmem:s30], [sflag:$0x1] =	stream.indirect.gather @!p1 [hbm4b:s4+s0], $0x80, s29, s0, $0xb8;
	[tilespmem:$0x12500] =	vst v63  }
0xf1: {  	_ =	swait.ge [sflag:s21], $0x4000  }
0xf2: {  	s28 =	sor.u32 $0x1, s28;
	s31 =	simm.s32 $0x3;
	v18 =	vld [tilespmem:$0x1FFB0]  }
0xf3: {  	s29 =	sshll.u32 s28, $0x7;
	s30 =	simm.s32 $0x2;
	v34 =	vadd.s32 s31, v8  }
0xf4: {  	v47 =	vmov s29;
	v35 =	vadd.s32 s30, v8;
	v43 =	vand.u32 $0x3F, v34  }
0xf5: {  	[sflag:s21] =	ssyncset.done $0x0;
	v21 =	vand.u32 $0x3F, v35;
	v0 =	vor.u32 v47, v43  }
0xf6: {  	s29 =	simm.s32 @!p0 $0x4;
	[sflag:s21] =	ssyncadd.s32 $0xFFFFC000;
	v37 =	vor.u32 v47, v21  }
0xf7: {  	_ =	swait.ge @!p0 [sflag:s29], $0x2000;
	v36 =	vor.u32 v18, v43  }
0xf8: {  	s31 =	simm.s32 $0x0;
	[sflag:s29] =	ssyncset.done @!p0 $0x0;
	v1 =	vor.u32 v18, v21  }
0xf9: {  	v4 =	vadd.s32 s31, v8;
	v28 =	vld [tilespmem:$0x1FFC0];
	[sflag:s29] =	ssyncadd.s32 @!p0 $0xFFFFE000  }
0xfa: {  	v22 =	vand.u32 $0x3F, v4;
	v19 =	vld.idx.msk [tilespmem:v0+s12+$0x0], $0xffff  }
0xfb: {  	v4 =	vor.u32 v47, v22;
	v59 =	vld.idx.msk [tilespmem:v37+s12+$0x0], $0xffff  }
0xfc: {  	v39 =	vor.u32 v18, v22;
	v38 =	vld.idx.msk [tilespmem:v36+s16+$0x0], $0xffff  }
0xfd: {  	v24 =	vshll.u32 v43, $0x7;
	v1 =	vld.idx.msk [tilespmem:v1+s16+$0x0], $0xffff  }
0xfe: {  	s30 =	simm.s32 $0x1;
	v26 =	vshll.u32 v21, $0x7;
	v20 =	vor.u32 v28, v24  }
0xff: {  	v17 =	vadd.s32 s30, v8;
	v40 =	vor.u32 v16, v43;
	v27 =	vor.u32 v28, v26  }
0x100: {  	v29 =	vor.u32 v16, v21;
	v25 =	vand.u32 $0x3F, v17;
	v17 =	vld.idx.msk [tilespmem:v4+s12+$0x0], $0xffff  }
0x101: {  	v2 =	vld.idx.msk [tilespmem:v39+s16+$0x0], $0xffff;
	v0 =	vadd.f32 v38, v19  }
0x102: {  	v23 =	vshll.u32 v22, $0x7;
	v41 =	vor.u32 v18, v25;
	v1 =	vadd.f32 v1, v59  }
0x103: {  	v30 =	vor.u32 v28, v23;
	v4 =	vor.u32 v47, v25;
	[tilespmem:v20+s22+$0x0] =	vst.idx.msk $0xffff, v0  }
0x104: {  	v31 =	vor.u32 v16, v22;
	[tilespmem:v27+s22+$0x0] =	vst.idx.msk $0xffff, v1;
	v3 =	vld.idx.msk [tilespmem:v40+s16+$0x0], $0xffff  }
0x105: {  	v29 =	vld.idx.msk [tilespmem:v29+s16+$0x0], $0xffff  }
0x106: {  	v42 =	vor.u32 v15, v24;
	v2 =	vadd.f32 v2, v17  }
0x107: {  	v44 =	vor.u32 v55, v43;
	v45 =	vor.u32 v15, v26;
	v0 =	vld.idx.msk [tilespmem:v41+s16+$0x0], $0xffff  }
0x108: {  	v46 =	vor.u32 v55, v21;
	v20 =	vld.idx.msk [tilespmem:v4+s12+$0x0], $0xffff;
	[tilespmem:v30+s22+$0x0] =	vst.idx.msk $0xffff, v2  }
0x109: {  	v27 =	vshll.u32 v25, $0x7;
	v4 =	vld.idx.msk [tilespmem:v31+s16+$0x0], $0xffff;
	v3 =	vadd.f32 v3, v19  }
0x10a: {  	v48 =	vor.u32 v28, v27;
	v49 =	vadd.f32 v29, v59  }
0x10b: {  	v31 =	vor.u32 v15, v23;
	[tilespmem:v42+s22+$0x0] =	vst.idx.msk $0xffff, v3  }
0x10c: {  	v30 =	vor.u32 v16, v25;
	[tilespmem:v45+s22+$0x0] =	vst.idx.msk $0xffff, v49;
	v29 =	vld.idx.msk [tilespmem:v44+s16+$0x0], $0xffff  }
0x10d: {  	v0 =	vadd.f32 v0, v20;
	v2 =	vld.idx.msk [tilespmem:v46+s16+$0x0], $0xffff  }
0x10e: {  	v50 =	vor.u32 v55, v22;
	v51 =	vor.u32 v11, v24;
	v4 =	vadd.f32 v4, v17  }
0x10f: {  	v52 =	vor.u32 v12, v43;
	v53 =	vor.u32 v11, v26;
	[tilespmem:v48+s22+$0x0] =	vst.idx.msk $0xffff, v0  }
0x110: {  	[tilespmem:v31+s22+$0x0] =	vst.idx.msk $0xffff, v4;
	v4 =	vor.u32 v12, v21  }
0x111: {  	v30 =	vld.idx.msk [tilespmem:v30+s16+$0x0], $0xffff;
	v54 =	vadd.f32 v29, v19  }
0x112: {  	v2 =	vadd.f32 v2, v59  }
0x113: {  	v56 =	vor.u32 v15, v27;
	v3 =	vld.idx.msk [tilespmem:v50+s16+$0x0], $0xffff;
	[tilespmem:v51+s22+$0x0] =	vst.idx.msk $0xffff, v54  }
0x114: {  	v57 =	vor.u32 v55, v25;
	[tilespmem:v53+s22+$0x0] =	vst.idx.msk $0xffff, v2;
	v31 =	vld.idx.msk [tilespmem:v52+s16+$0x0], $0xffff  }
0x115: {  	v4 =	vld.idx.msk [tilespmem:v4+s16+$0x0], $0xffff  }
0x116: {  	v58 =	vor.u32 v11, v23;
	v40 =	vor.u32 v11, v27;
	v46 =	vadd.f32 v30, v20  }
0x117: {  	v48 =	vor.u32 v14, v21;
	v45 =	vor.u32 v12, v22;
	v50 =	vor.u32 v13, v26  }
0x118: {  	s29 =	simm.s32 $0x6;
	v49 =	vor.u32 v14, v43;
	[tilespmem:v56+s22+$0x0] =	vst.idx.msk $0xffff, v46;
	v52 =	vor.u32 v13, v24  }
0x119: {  	s31 =	simm.s32 $0x4;
	v3 =	vadd.f32 v3, v17;
	v54 =	vadd.s32 s29, v8;
	v51 =	vadd.f32 v31, v19;
	v31 =	vld.idx.msk [tilespmem:v57+s16+$0x0], $0xffff  }
0x11a: {  	v60 =	vmovc v55;
	v30 =	vadd.s32 s31, v8;
	s31 =	simm.s32 $0x7;
	v37 =	vand.u32 $0x3F, v54;
	v55 =	vadd.f32 v4, v59  }
0x11b: {  	v38 =	vand.u32 $0x3F, v30;
	v30 =	vadd.s32 s31, v8;
	[tilespmem:v58+s22+$0x0] =	vst.idx.msk $0xffff, v3;
	v4 =	vor.u32 v18, v37  }
0x11c: {  	s30 =	simm.s32 $0x5;
	v34 =	vor.u32 v12, v25;
	v30 =	vand.u32 $0x3F, v30;
	[tilespmem:v50+s22+$0x0] =	vst.idx.msk $0xffff, v55  }
0x11d: {  	v53 =	vadd.s32 s30, v8;
	v56 =	vor.u32 v47, v30;
	v0 =	vld.idx.msk [tilespmem:v45+s16+$0x0], $0xffff;
	[tilespmem:v52+s22+$0x0] =	vst.idx.msk $0xffff, v51  }
0x11e: {  	v58 =	vor.u32 v18, v30;
	v41 =	vand.u32 $0x3F, v53;
	v57 =	vadd.f32 v31, v20;
	v31 =	vld.idx.msk [tilespmem:v48+s16+$0x0], $0xffff;
	[tilespmem:$0x1FF00] =	vst v47  }
0x11f: {  	v42 =	vor.u32 v18, v41;
	v48 =	vor.u32 v13, v23;
	v32 =	vld.idx.msk [tilespmem:v49+s16+$0x0], $0xffff  }
0x120: {  	v3 =	vor.u32 v62, v26;
	v4 =	vld.idx.msk [tilespmem:v4+s16+$0x0], $0xffff;
	[tilespmem:v40+s22+$0x0] =	vst.idx.msk $0xffff, v57  }
0x121: {  	v44 =	vor.u32 v47, v41;
	v34 =	vld.idx.msk [tilespmem:v34+s16+$0x0], $0xffff  }
0x122: {  	v2 =	vor.u32 v47, v37;
	v0 =	vadd.f32 v0, v17;
	v50 =	vor.u32 v62, v24;
	v33 =	vld.idx.msk [tilespmem:v56+s12+$0x0], $0xffff  }
0x123: {  	v49 =	vor.u32 v9, v21;
	v54 =	vld.idx.msk [tilespmem:v58+s16+$0x0], $0xffff;
	v57 =	vor.u32 v13, v27;
	v53 =	vadd.f32 v31, v59  }
0x124: {  	v29 =	vor.u32 v10, v43;
	v55 =	vor.u32 v14, v22;
	v56 =	vld.idx.msk [tilespmem:v42+s16+$0x0], $0xffff;
	[tilespmem:v48+s22+$0x0] =	vst.idx.msk $0xffff, v0  }
0x125: {  	v42 =	vshll.u32 v30, $0x7;
	v0 =	vor.u32 v9, v43;
	[tilespmem:v3+s22+$0x0] =	vst.idx.msk $0xffff, v53;
	v53 =	vadd.f32 v32, v19  }
0x126: {  	v45 =	vor.u32 v18, v38;
	v31 =	vld.idx.msk [tilespmem:v44+s12+$0x0], $0xffff;
	v48 =	vor.u32 v28, v42;
	v34 =	vadd.f32 v34, v20  }
0x127: {  	v35 =	vshll.u32 v37, $0x7;
	v32 =	vld.idx.msk [tilespmem:v2+s12+$0x0], $0xffff;
	v2 =	vor.u32 v14, v25;
	[tilespmem:v50+s22+$0x0] =	vst.idx.msk $0xffff, v53  }
0x128: {  	v47 =	vor.u32 v47, v38;
	v3 =	vld.idx.msk [tilespmem:v49+s16+$0x0], $0xffff;
	[tilespmem:v57+s22+$0x0] =	vst.idx.msk $0xffff, v34;
	v57 =	vor.u32 v6, v23  }
0x129: {  	v58 =	vor.u32 v28, v35;
	v40 =	vshll.u32 v41, $0x7;
	v49 =	vadd.f32 v54, v33;
	v53 =	vld.idx.msk [tilespmem:v55+s16+$0x0], $0xffff;
	[tilespmem:$0x1FF10] =	vst v57  }
0x12a: {  	v39 =	vshll.u32 v38, $0x7;
	v1 =	vor.u32 v16, v41;
	v52 =	vor.u32 v28, v40;
	v0 =	vld.idx.msk [tilespmem:v0+s16+$0x0], $0xffff  }
0x12b: {  	v54 =	vor.u32 v63, v26;
	v34 =	vadd.f32 v56, v31;
	[tilespmem:v48+s22+$0x0] =	vst.idx.msk $0xffff, v49;
	v48 =	vld.idx.msk [tilespmem:v45+s16+$0x0], $0xffff  }
0x12c: {  	v51 =	vor.u32 v28, v39;
	v56 =	vor.u32 v62, v23;
	v4 =	vadd.f32 v4, v32;
	v2 =	vld.idx.msk [tilespmem:v2+s16+$0x0], $0xffff  }
0x12d: {  	v50 =	vor.u32 v16, v30;
	v55 =	vor.u32 v63, v24;
	v49 =	vor.u32 v16, v37;
	v45 =	vld.idx.msk [tilespmem:v47+s12+$0x0], $0xffff  }
0x12e: {  	v3 =	vadd.f32 v3, v59;
	[tilespmem:v58+s22+$0x0] =	vst.idx.msk $0xffff, v4;
	v58 =	vor.u32 v62, v27  }
0x12f: {  	[tilespmem:v52+s22+$0x0] =	vst.idx.msk $0xffff, v34;
	v52 =	vor.u32 v61, v21;
	v34 =	vmov v59;
	v59 =	vadd.f32 v53, v17  }
0x130: {  	v44 =	vor.u32 v10, v30;
	[tilespmem:v54+s22+$0x0] =	vst.idx.msk $0xffff, v3;
	v0 =	vadd.f32 v0, v19  }
0x131: {  	v1 =	vld.idx.msk [tilespmem:v1+s16+$0x0], $0xffff;
	v4 =	vor.u32 v9, v22;
	[tilespmem:v56+s22+$0x0] =	vst.idx.msk $0xffff, v59;
	v2 =	vadd.f32 v2, v20  }
0x132: {  	v57 =	vor.u32 v61, v43;
	v50 =	vld.idx.msk [tilespmem:v50+s16+$0x0], $0xffff;
	[tilespmem:v55+s22+$0x0] =	vst.idx.msk $0xffff, v0;
	v0 =	vadd.f32 v48, v45  }
0x133: {  	v10 =	vmov v61;
	v3 =	vor.u32 v9, v25;
	v61 =	vld.idx.msk [tilespmem:v49+s16+$0x0], $0xffff;
	[tilespmem:v58+s22+$0x0] =	vst.idx.msk $0xffff, v2  }
0x134: {  	v62 =	vor.u32 v15, v42;
	v54 =	vor.u32 v16, v38;
	v49 =	vld.idx.msk [tilespmem:v52+s16+$0x0], $0xffff;
	[tilespmem:v51+s22+$0x0] =	vst.idx.msk $0xffff, v0  }
0x135: {  	v5 =	vmovc v63;
	v36 =	vor.u32 v63, v27;
	v46 =	vor.u32 v63, v40;
	v63 =	vor.u32 v60, v30;
	v0 =	vld [tilespmem:$0x1FF50]  }
0x136: {  	v43 =	vor.u32 v6, v26;
	v47 =	vor.u32 v6, v27;
	v53 =	vld.idx.msk [tilespmem:v4+s16+$0x0], $0xffff  }
0x137: {  	v6 =	vmovc v18;
	v9 =	vmov v16;
	v59 =	vor.u32 v60, v37;
	v2 =	vadd.f32 v50, v33;
	v50 =	vld.idx.msk [tilespmem:v57+s16+$0x0], $0xffff  }
0x138: {  	v52 =	vor.u32 v10, v22;
	v56 =	vadd.f32 v1, v31;
	v58 =	vor.u32 v15, v35;
	v51 =	vld.idx.msk [tilespmem:v3+s16+$0x0], $0xffff  }
0x139: {  	v55 =	vor.u32 v5, v23;
	v60 =	vld.idx.msk [tilespmem:v54+s16+$0x0], $0xffff;
	[tilespmem:v62+s22+$0x0] =	vst.idx.msk $0xffff, v2;
	v61 =	vadd.f32 v61, v32  }
0x13a: {  	s29 =	simm.s32 $0x8;
	v10 =	vmovc v15;
	v54 =	vor.u32 v7, v24;
	v7 =	vmov v28;
	v57 =	vld.idx.msk [tilespmem:v63+s16+$0x0], $0xffff;
	v48 =	vor.u32 v0, v25  }
.LBB2_5:
0x13b: {  	v16 =	vld [tilespmem:$0x1FF80];
	_ =	sdelay $0x2  }
0x13c: {  	v28 =	vld [tilespmem:$0x1FF50]  }
0x13d: {  	v3 =	vor.u32 v10, v39;
	v14 =	vld [tilespmem:$0x1FFE0];
	v62 =	vor.u32 v10, v40;
	[tilespmem:v58+s22+$0x0] =	vst.idx.msk $0xffff, v61  }
0x13e: {  	v15 =	vld [tilespmem:$0x1FF40];
	v58 =	vor.u32 v12, v30;
	v4 =	vadd.f32 v53, v17;
	v1 =	vor.u32 v16, v25  }
0x13f: {  	v53 =	vor.u32 v11, v42;
	v50 =	vadd.f32 v50, v19;
	v60 =	vadd.f32 v60, v45  }
0x140: {  	v18 =	vld [tilespmem:$0x1FF70];
	v61 =	vadd.f32 v57, v33;
	[tilespmem:v55+s22+$0x0] =	vst.idx.msk $0xffff, v4;
	v4 =	vadd.f32 v51, v20  }
0x141: {  	v0 =	vor.u32 v28, v22;
	v25 =	vmov v41;
	v41 =	vld.idx.msk [tilespmem:v59+s16+$0x0], $0xffff;
	[tilespmem:v54+s22+$0x0] =	vst.idx.msk $0xffff, v50  }
0x142: {  	v2 =	vor.u32 v28, v21;
	v22 =	vmov v38;
	v21 =	vmov v37;
	v51 =	vld.idx.msk [tilespmem:v52+s16+$0x0], $0xffff;
	[tilespmem:v36+s22+$0x0] =	vst.idx.msk $0xffff, v4  }
0x143: {  	v38 =	vor.u32 v14, v22;
	v52 =	vor.u32 v15, v27;
	v27 =	vor.u32 v11, v35;
	v1 =	vld.idx.msk [tilespmem:v1+s16+$0x0], $0xffff  }
0x144: {  	[tilespmem:v3+s22+$0x0] =	vst.idx.msk $0xffff, v60;
	v60 =	vor.u32 v15, v23;
	v4 =	vld.idx.msk [tilespmem:v29+s16+$0x0], $0xffff;
	v29 =	vor.u32 v12, v21  }
0x145: {  	v63 =	vor.u32 v14, v25;
	[tilespmem:v53+s22+$0x0] =	vst.idx.msk $0xffff, v61  }
0x146: {  	v26 =	vor.u32 v15, v26;
	v50 =	vld.idx.msk [tilespmem:v58+s16+$0x0], $0xffff;
	v41 =	vadd.f32 v41, v32  }
0x147: {  	s30 =	smov.u32 s29;
	v24 =	vor.u32 v18, v24;
	v58 =	vld [tilespmem:$0x1FFF0];
	[tilespmem:v62+s22+$0x0] =	vst.idx.msk $0xffff, v56;
	v61 =	vadd.f32 v51, v17  }
0x148: {  	v57 =	vadd.s32 s30, v8;
	v23 =	vmov v39;
	v36 =	vld.idx.msk [tilespmem:v38+s16+$0x0], $0xffff;
	[tilespmem:v27+s22+$0x0] =	vst.idx.msk $0xffff, v41;
	v1 =	vadd.f32 v1, v20  }
0x149: {  	v39 =	vor.u32 v11, v23;
	v3 =	vld.idx.msk [tilespmem:v29+s16+$0x0], $0xffff;
	v29 =	vadd.f32 v49, v34;
	[tilespmem:v60+s22+$0x0] =	vst.idx.msk $0xffff, v61  }
0x14a: {  	v62 =	vor.u32 v12, v22;
	v56 =	vor.u32 v13, v35;
	v49 =	vld.idx.msk [tilespmem:v63+s16+$0x0], $0xffff;
	[tilespmem:v52+s22+$0x0] =	vst.idx.msk $0xffff, v1  }
0x14b: {  	v38 =	vand.u32 $0x3F, v57;
	v27 =	vmov v40;
	v4 =	vadd.f32 v4, v19;
	[tilespmem:v26+s22+$0x0] =	vst.idx.msk $0xffff, v29;
	v48 =	vld.idx.msk [tilespmem:v48+s16+$0x0], $0xffff  }
0x14c: {  	s31 =	sadd.s32 $0x2, s30;
	v51 =	vor.u32 v11, v27;
	v54 =	vor.u32 v58, v21;
	v63 =	vld.idx.msk [tilespmem:v2+s16+$0x0], $0xffff;
	v52 =	vor.u32 v13, v42  }
0x14d: {  	v60 =	vor.u32 v6, v38;
	v0 =	vld.idx.msk [tilespmem:v0+s16+$0x0], $0xffff;
	v29 =	vadd.s32 s31, v8;
	v5 =	vadd.f32 v36, v45  }
0x14e: {  	v55 =	vor.u32 v58, v30;
	[tilespmem:v24+s22+$0x0] =	vst.idx.msk $0xffff, v4;
	v37 =	vand.u32 $0x3F, v29;
	v29 =	vld [tilespmem:$0x1FF10];
	v3 =	vadd.f32 v3, v32  }
0x14f: {  	s0 =	sadd.s32 $0x1, s30;
	s30 =	sadd.s32 $0x3, s30;
	v50 =	vadd.f32 v50, v33;
	v26 =	vmov v35;
	v35 =	vor.u32 v6, v37;
	[tilespmem:v39+s22+$0x0] =	vst.idx.msk $0xffff, v5;
	v5 =	vld [tilespmem:$0x1FF00]  }
0x150: {  	v4 =	vmov v46;
	v61 =	vld.idx.msk [tilespmem:v62+s16+$0x0], $0xffff;
	v62 =	vadd.s32 s30, v8;
	[tilespmem:v56+s22+$0x0] =	vst.idx.msk $0xffff, v3;
	v56 =	vadd.f32 v48, v20  }
0x151: {  	v1 =	vadd.f32 v63, v34;
	v63 =	vadd.f32 v49, v31;
	v46 =	vld.idx.msk [tilespmem:v54+s16+$0x0], $0xffff;
	[tilespmem:v52+s22+$0x0] =	vst.idx.msk $0xffff, v50  }
0x152: {  	v3 =	vand.u32 $0x3F, v62;
	v50 =	vld.idx.msk [tilespmem:v60+s16+$0x0], $0xffff;
	[tilespmem:v47+s22+$0x0] =	vst.idx.msk $0xffff, v56  }
0x153: {  	v59 =	vadd.s32 s0, v8;
	v57 =	vor.u32 v6, v3;
	[tilespmem:v51+s22+$0x0] =	vst.idx.msk $0xffff, v63;
	v63 =	vld [tilespmem:$0x1FF90]  }
0x154: {  	v53 =	vor.u32 v12, v25;
	v19 =	vmovc v33;
	v41 =	vand.u32 $0x3F, v59;
	v59 =	vor.u32 v13, v23;
	v60 =	vld [tilespmem:$0x1FFA0]  }
0x155: {  	v0 =	vadd.f32 v0, v17;
	v17 =	vmovc v45;
	v52 =	vld.idx.msk [tilespmem:v35+s16+$0x0], $0xffff;
	v20 =	vmov v31;
	v31 =	vor.u32 v5, v3  }
0x156: {  	v40 =	vshll.u32 v41, $0x7;
	[tilespmem:$0x1FEF0] =	vst v4;
	v62 =	vld.idx.msk [tilespmem:v55+s16+$0x0], $0xffff;
	v2 =	vadd.f32 v61, v17;
	v61 =	vor.u32 v58, v22  }
0x157: {  	v24 =	vmovc v42;
	v36 =	vmov v44;
	v42 =	vor.u32 v6, v41;
	v39 =	vshll.u32 v38, $0x7;
	[tilespmem:v29+s22+$0x0] =	vst.idx.msk $0xffff, v0;
	v29 =	vld [tilespmem:$0x1FF60]  }
0x158: {  	v4 =	vor.u32 v5, v41;
	v44 =	vor.u32 v5, v37;
	v48 =	vld.idx.msk [tilespmem:v57+s16+$0x0], $0xffff;
	v47 =	vor.u32 v63, v26  }
0x159: {  	v35 =	vshll.u32 v37, $0x7;
	v45 =	vor.u32 v5, v38;
	v5 =	vmov v32;
	[tilespmem:v43+s22+$0x0] =	vst.idx.msk $0xffff, v1;
	v43 =	vld.idx.msk [tilespmem:v53+s16+$0x0], $0xffff  }
0x15a: {  	v1 =	vor.u32 v7, v39;
	v55 =	vor.u32 v7, v40;
	[tilespmem:v59+s22+$0x0] =	vst.idx.msk $0xffff, v2;
	v33 =	vld.idx.msk [tilespmem:v31+s12+$0x0], $0xffff  }
0x15b: {  	v49 =	vor.u32 v60, v21;
	v31 =	vadd.f32 v46, v5;
	v2 =	vld.idx.msk [tilespmem:v61+s16+$0x0], $0xffff;
	v54 =	vor.u32 v63, v24  }
0x15c: {  	v0 =	vor.u32 v9, v41;
	v57 =	vor.u32 v13, v27;
	v53 =	vor.u32 v7, v35;
	v56 =	vld.idx.msk [tilespmem:v42+s16+$0x0], $0xffff  }
0x15d: {  	v42 =	vshll.u32 v3, $0x7;
	v62 =	vadd.f32 v62, v19;
	[tilespmem:v47+s22+$0x0] =	vst.idx.msk $0xffff, v31;
	v47 =	vor.u32 v60, v30  }
0x15e: {  	v51 =	vor.u32 v7, v42;
	v61 =	vor.u32 v16, v21;
	v31 =	vld.idx.msk [tilespmem:v4+s12+$0x0], $0xffff;
	v4 =	vor.u32 v58, v25  }
0x15f: {  	v59 =	vadd.f32 v43, v20;
	v48 =	vadd.f32 v48, v33;
	v58 =	vor.u32 v9, v3;
	v32 =	vld.idx.msk [tilespmem:v44+s12+$0x0], $0xffff  }
0x160: {  	v2 =	vadd.f32 v2, v17;
	[tilespmem:v54+s22+$0x0] =	vst.idx.msk $0xffff, v62;
	v54 =	vor.u32 v18, v23;
	v49 =	vld.idx.msk [tilespmem:v49+s16+$0x0], $0xffff  }
0x161: {  	[tilespmem:v57+s22+$0x0] =	vst.idx.msk $0xffff, v59;
	v57 =	vor.u32 v9, v37;
	v59 =	vor.u32 v29, v26  }
0x162: {  	v62 =	vor.u32 v16, v30;
	[tilespmem:$0x1FF10] =	vst v54;
	v54 =	vor.u32 v60, v25;
	v47 =	vld.idx.msk [tilespmem:v47+s16+$0x0], $0xffff  }
0x163: {  	v4 =	vld.idx.msk [tilespmem:v4+s16+$0x0], $0xffff;
	v56 =	vadd.f32 v56, v31;
	[tilespmem:v51+s22+$0x0] =	vst.idx.msk $0xffff, v48;
	v48 =	vor.u32 v63, v23  }
0x164: {  	v60 =	vor.u32 v60, v22;
	v51 =	vadd.f32 v52, v32;
	v52 =	vld.idx.msk [tilespmem:v58+s16+$0x0], $0xffff;
	v58 =	vor.u32 v29, v24  }
0x165: {  	v45 =	vld.idx.msk [tilespmem:v45+s12+$0x0], $0xffff;
	v49 =	vadd.f32 v49, v5;
	[tilespmem:v55+s22+$0x0] =	vst.idx.msk $0xffff, v56;
	v55 =	vor.u32 v63, v27  }
0x166: {  	v34 =	vmov v5;
	v30 =	vmov v3;
	v44 =	vor.u32 v28, v3;
	v0 =	vld.idx.msk [tilespmem:v0+s16+$0x0], $0xffff;
	[tilespmem:v53+s22+$0x0] =	vst.idx.msk $0xffff, v51  }
0x167: {  	v3 =	vor.u32 v9, v38;
	v57 =	vld.idx.msk [tilespmem:v57+s16+$0x0], $0xffff;
	[tilespmem:v59+s22+$0x0] =	vst.idx.msk $0xffff, v49;
	v59 =	vadd.f32 v47, v19  }
0x168: {  	v63 =	vor.u32 v10, v42;
	[tilespmem:v48+s22+$0x0] =	vst.idx.msk $0xffff, v2;
	v2 =	vadd.f32 v4, v20;
	v49 =	vld.idx.msk [tilespmem:v61+s16+$0x0], $0xffff  }
0x169: {  	p0 =	slt.u32 s29, $0x3C;
	v46 =	vor.u32 v29, v40;
	v5 =	vor.u32 v14, v30;
	v53 =	vld.idx.msk [tilespmem:v60+s16+$0x0], $0xffff;
	[tilespmem:v58+s22+$0x0] =	vst.idx.msk $0xffff, v59  }
.Ltmp3:
0x16a: {  	v4 =	vadd.f32 v50, v45;
	[tilespmem:v55+s22+$0x0] =	vst.idx.msk $0xffff, v2;
	v55 =	vor.u32 v29, v23;
	v29 =	vmov v36;
	v36 =	vld [tilespmem:$0x1FEF0];
	(pc) =	sbr.rel @p0 .LBB2_5-.Ltmp3, $4  }
0x16b: {  	v43 =	vor.u32 v18, v26;
	v47 =	vor.u32 v18, v27;
	v52 =	vadd.f32 v52, v33;
	v50 =	vld.idx.msk [tilespmem:v62+s16+$0x0], $0xffff  }
0x16c: {  	v48 =	vor.u32 v28, v25;
	v58 =	vor.u32 v10, v35;
	[tilespmem:v1+s22+$0x0] =	vst.idx.msk $0xffff, v4;
	v51 =	vld.idx.msk [tilespmem:v54+s16+$0x0], $0xffff  }
0x16d: {  	v59 =	vor.u32 v14, v37;
	v60 =	vld.idx.msk [tilespmem:v3+s16+$0x0], $0xffff;
	v56 =	vadd.f32 v0, v31;
	[tilespmem:v63+s22+$0x0] =	vst.idx.msk $0xffff, v52  }
0x16e: {  	s29 =	sadd.s32 $0x4, s29;
	v52 =	vor.u32 v16, v22;
	v54 =	vor.u32 v15, v24;
	v61 =	vadd.f32 v57, v32;
	v57 =	vld.idx.msk [tilespmem:v5+s16+$0x0], $0xffff  }
0x16f: {  	v18 =	vld [tilespmem:$0x1FFE0];
	_ =	sdelay $0x3  }
0x170: {  	v0 =	vor.u32 v10, v40  }
0x171: {  	v1 =	vor.u32 v18, v41  }
0x172: {  	v2 =	vor.u32 v10, v39  }
0x173: {  	v3 =	vor.u32 v18, v38;
	_ =	sdelay $0x1  }
0x174: {  	v4 =	vadd.f32 v60, v45;
	[tilespmem:v0+s22+$0x0] =	vst.idx.msk $0xffff, v56  }
0x175: {  	[tilespmem:v58+s22+$0x0] =	vst.idx.msk $0xffff, v61;
	v0 =	vld.idx.msk [tilespmem:v1+s16+$0x0], $0xffff  }
0x176: {  	v5 =	vor.u32 v11, v42;
	[tilespmem:v2+s22+$0x0] =	vst.idx.msk $0xffff, v4;
	v1 =	vld.idx.msk [tilespmem:v59+s16+$0x0], $0xffff  }
0x177: {  	v2 =	vor.u32 v12, v30;
	v4 =	vor.u32 v11, v40;
	v3 =	vld.idx.msk [tilespmem:v3+s16+$0x0], $0xffff  }
0x178: {  	v16 =	vmov v10;
	v10 =	vor.u32 v11, v35;
	v56 =	vor.u32 v12, v41  }
0x179: {  	v28 =	vor.u32 v11, v39;
	v58 =	vor.u32 v12, v37;
	v57 =	vadd.f32 v57, v33  }
0x17a: {  	v0 =	vadd.f32 v0, v31  }
0x17b: {  	[tilespmem:v5+s22+$0x0] =	vst.idx.msk $0xffff, v57;
	v1 =	vadd.f32 v1, v32  }
0x17c: {  	v2 =	vld.idx.msk [tilespmem:v2+s16+$0x0], $0xffff;
	v3 =	vadd.f32 v3, v45;
	[tilespmem:v4+s22+$0x0] =	vst.idx.msk $0xffff, v0  }
0x17d: {  	[tilespmem:v10+s22+$0x0] =	vst.idx.msk $0xffff, v1;
	v0 =	vld.idx.msk [tilespmem:v56+s16+$0x0], $0xffff  }
0x17e: {  	v4 =	vor.u32 v13, v42;
	[tilespmem:v28+s22+$0x0] =	vst.idx.msk $0xffff, v3;
	v1 =	vld.idx.msk [tilespmem:v58+s16+$0x0], $0xffff  }
0x17f: {  	v14 =	vor.u32 v12, v38;
	v10 =	vor.u32 v13, v40;
	v9 =	vld [tilespmem:$0x1FFF0]  }
0x180: {  	v56 =	vor.u32 v13, v35  }
0x181: {  	v2 =	vadd.f32 v2, v33  }
0x182: {  	v0 =	vadd.f32 v0, v31  }
0x183: {  	[tilespmem:v4+s22+$0x0] =	vst.idx.msk $0xffff, v2;
	v1 =	vadd.f32 v1, v32  }
0x184: {  	v5 =	vld.idx.msk [tilespmem:v14+s16+$0x0], $0xffff;
	v3 =	vor.u32 v9, v30;
	[tilespmem:v10+s22+$0x0] =	vst.idx.msk $0xffff, v0  }
0x185: {  	v28 =	vor.u32 v9, v41;
	[tilespmem:v56+s22+$0x0] =	vst.idx.msk $0xffff, v1  }
0x186: {  	v63 =	vmovc v12;
	v62 =	vmov v13;
	v13 =	vor.u32 v13, v39;
	v12 =	vor.u32 v9, v37;
	v11 =	vld [tilespmem:$0x1FF90];
	_ =	sdelay $0x2  }
0x187: {  	v2 =	vadd.f32 v5, v45;
	v3 =	vld.idx.msk [tilespmem:v3+s16+$0x0], $0xffff  }
0x188: {  	v0 =	vld.idx.msk [tilespmem:v28+s16+$0x0], $0xffff  }
0x189: {  	v14 =	vor.u32 v9, v38;
	[tilespmem:v13+s22+$0x0] =	vst.idx.msk $0xffff, v2;
	v1 =	vld.idx.msk [tilespmem:v12+s16+$0x0], $0xffff;
	v4 =	vor.u32 v11, v42  }
0x18a: {  	v61 =	vmov v9;
	v9 =	vld [tilespmem:$0x1FFA0];
	v10 =	vor.u32 v11, v40  }
0x18b: {  	v53 =	vadd.f32 v53, v17;
	v56 =	vor.u32 v11, v35  }
0x18c: {  	v3 =	vadd.f32 v3, v33  }
0x18d: {  	[tilespmem:v55+s22+$0x0] =	vst.idx.msk $0xffff, v53;
	v0 =	vadd.f32 v0, v31  }
0x18e: {  	v5 =	vld.idx.msk [tilespmem:v14+s16+$0x0], $0xffff;
	v1 =	vadd.f32 v1, v32;
	[tilespmem:v4+s22+$0x0] =	vst.idx.msk $0xffff, v3  }
0x18f: {  	v2 =	vor.u32 v9, v30;
	v14 =	vld [tilespmem:$0x1FF80];
	[tilespmem:v10+s22+$0x0] =	vst.idx.msk $0xffff, v0  }
0x190: {  	v60 =	vmov v11;
	v59 =	vor.u32 v11, v39;
	v57 =	vor.u32 v9, v41;
	v11 =	vld [tilespmem:$0x1FF50];
	[tilespmem:v56+s22+$0x0] =	vst.idx.msk $0xffff, v1  }
0x191: {  	v28 =	vor.u32 v9, v38;
	v12 =	vld [tilespmem:$0x1FF60]  }
0x192: {  	v58 =	vor.u32 v9, v37  }
0x193: {  	v4 =	vadd.f32 v5, v45  }
0x194: {  	v5 =	vadd.f32 v50, v19;
	v2 =	vld.idx.msk [tilespmem:v2+s16+$0x0], $0xffff  }
0x195: {  	v51 =	vadd.f32 v51, v20;
	v1 =	vld.idx.msk [tilespmem:v57+s16+$0x0], $0xffff;
	[tilespmem:v59+s22+$0x0] =	vst.idx.msk $0xffff, v4  }
0x196: {  	[tilespmem:v54+s22+$0x0] =	vst.idx.msk $0xffff, v5;
	v56 =	vld.idx.msk [tilespmem:v28+s16+$0x0], $0xffff;
	v3 =	vor.u32 v14, v25;
	v10 =	vor.u32 v12, v42  }
0x197: {  	[tilespmem:v36+s22+$0x0] =	vst.idx.msk $0xffff, v51;
	v25 =	vld.idx.msk [tilespmem:v58+s16+$0x0], $0xffff;
	v5 =	vor.u32 v14, v30  }
0x198: {  	v15 =	vld [tilespmem:$0x1FF40]  }
0x199: {  	v58 =	vor.u32 v14, v41;
	v2 =	vadd.f32 v2, v33;
	v57 =	vor.u32 v12, v35  }
0x19a: {  	v51 =	vld.idx.msk [tilespmem:v52+s16+$0x0], $0xffff;
	v59 =	vor.u32 v14, v37;
	v1 =	vadd.f32 v1, v31;
	v50 =	vor.u32 v12, v39  }
0x19b: {  	v52 =	vor.u32 v14, v38;
	v3 =	vld.idx.msk [tilespmem:v3+s16+$0x0], $0xffff;
	[tilespmem:v10+s22+$0x0] =	vst.idx.msk $0xffff, v2  }
0x19c: {  	[tilespmem:v46+s22+$0x0] =	vst.idx.msk $0xffff, v1;
	v25 =	vadd.f32 v25, v32;
	v5 =	vld.idx.msk [tilespmem:v5+s16+$0x0], $0xffff  }
0x19d: {  	v4 =	vor.u32 v11, v21;
	v27 =	vor.u32 v15, v27;
	v21 =	vadd.f32 v56, v45;
	v13 =	vld [tilespmem:$0x1FF70]  }
0x19e: {  	v26 =	vor.u32 v15, v26;
	[tilespmem:v57+s22+$0x0] =	vst.idx.msk $0xffff, v25;
	v57 =	vld.idx.msk [tilespmem:v58+s16+$0x0], $0xffff  }
0x19f: {  	v2 =	vor.u32 v15, v23;
	[tilespmem:v50+s22+$0x0] =	vst.idx.msk $0xffff, v21;
	v58 =	vld.idx.msk [tilespmem:v59+s16+$0x0], $0xffff  }
0x1a0: {  	v56 =	vadd.f32 v49, v34;
	v59 =	vor.u32 v15, v42;
	v49 =	vld.idx.msk [tilespmem:v52+s16+$0x0], $0xffff;
	v3 =	vadd.f32 v3, v20  }
0x1a1: {  	v50 =	vor.u32 v15, v40  }
0x1a2: {  	v46 =	vadd.f32 v51, v17;
	v54 =	vor.u32 v15, v39;
	v10 =	vld.idx.msk [tilespmem:v29+s16+$0x0], $0xffff;
	[tilespmem:v27+s22+$0x0] =	vst.idx.msk $0xffff, v3  }
0x1a3: {  	v51 =	vor.u32 v15, v35;
	[tilespmem:v26+s22+$0x0] =	vst.idx.msk $0xffff, v56;
	v52 =	vld.idx.msk [tilespmem:v48+s16+$0x0], $0xffff;
	v5 =	vadd.f32 v5, v33  }
0x1a4: {  	[tilespmem:v2+s22+$0x0] =	vst.idx.msk $0xffff, v46;
	v2 =	vld.idx.msk [tilespmem:v4+s16+$0x0], $0xffff;
	v1 =	vor.u32 v13, v24;
	v56 =	vadd.f32 v57, v31  }
0x1a5: {  	v0 =	vor.u32 v11, v22;
	v23 =	vadd.f32 v49, v45;
	[tilespmem:v59+s22+$0x0] =	vst.idx.msk $0xffff, v5  }
0x1a6: {  	v5 =	vadd.f32 v58, v32;
	[tilespmem:v50+s22+$0x0] =	vst.idx.msk $0xffff, v56  }
0x1a7: {  	v19 =	vadd.f32 v10, v19;
	[tilespmem:v54+s22+$0x0] =	vst.idx.msk $0xffff, v23  }
0x1a8: {  	v3 =	vor.u32 v11, v41;
	[tilespmem:v51+s22+$0x0] =	vst.idx.msk $0xffff, v5;
	v5 =	vadd.f32 v52, v20  }
0x1a9: {  	v4 =	vor.u32 v11, v38;
	[tilespmem:v1+s22+$0x0] =	vst.idx.msk $0xffff, v19;
	v1 =	vadd.f32 v2, v34  }
0x1aa: {  	v53 =	vor.u32 v11, v37;
	v0 =	vld.idx.msk [tilespmem:v0+s16+$0x0], $0xffff;
	[tilespmem:v47+s22+$0x0] =	vst.idx.msk $0xffff, v5  }
0x1ab: {  	v57 =	vld.idx.msk [tilespmem:v44+s16+$0x0], $0xffff;
	[tilespmem:v43+s22+$0x0] =	vst.idx.msk $0xffff, v1  }
0x1ac: {  	v55 =	vmov v9;
	v9 =	vld [tilespmem:$0x1FF10]  }
0x1ad: {  	v3 =	vld.idx.msk [tilespmem:v3+s16+$0x0], $0xffff  }
0x1ae: {  	v58 =	vor.u32 v13, v42;
	v4 =	vld.idx.msk [tilespmem:v4+s16+$0x0], $0xffff  }
0x1af: {  	v59 =	vld.idx.msk [tilespmem:v53+s16+$0x0], $0xffff  }
0x1b0: {  	v1 =	vor.u32 v13, v39  }
0x1b1: {  	v2 =	vor.u32 v13, v40;
	v0 =	vadd.f32 v0, v17;
	v17 =	vadd.f32 v57, v33  }
0x1b2: {  	v5 =	vor.u32 v13, v35  }
0x1b3: {  	v4 =	vadd.f32 v4, v45;
	[tilespmem:v58+s22+$0x0] =	vst.idx.msk $0xffff, v17  }
.Ltmp4:
0x1b4: {  	[tilespmem:v9+s22+$0x0] =	vst.idx.msk $0xffff, v0;
	v0 =	vadd.f32 v3, v31;
	v3 =	vadd.f32 v59, v32;
	(pc) =	sbr.rel @p1 .LBB2_8-.Ltmp4, $4  }
0x1b5: {  	[tilespmem:v1+s22+$0x0] =	vst.idx.msk $0xffff, v4  }
0x1b6: {  	s0 =	sshll.u32 s28, $0xF;
	[tilespmem:v2+s22+$0x0] =	vst.idx.msk $0xffff, v0  }
0x1b7: {  	s0 =	sadd.s32 s0, s10;
	[tilespmem:v5+s22+$0x0] =	vst.idx.msk $0xffff, v3  }
0x1b8: {  	v1 =	vmovc v14;
	v4 =	vmovc v13;
	v5 =	vmov v18;
	[hbm4b:s0+s19] =	stream.strided.scatter [tilespmem:s22], [sflag:$0x4], $0x2000, s20, s19, $0x38;
	v0 =	vmov v12;
	v3 =	vmov v11;
	[tilespmem:$0x12500] =	vst v63  }
0x1b9: {  	s0 =	sshll.u32 s26, $0xD  }
0x1ba: {  	s0 =	sadd.s32 s9, s0  }
0x1bb: {  	s0 =	sshrl.u32 s0, $0x3  }
0x1bc: {  	s0 =	sadd.s32 s3, s0  }
0x1bd: {  	[tilespmem:s14], [sflag:$0x5] =	stream.linear.gather [hbm4b:s0+s2], $0x80, $0x38;
	[tilespmem:$0x12500] =	vst v63  }
.Ltmp5:
0x1be: {  	_ = 	snop;
	(pc) =	sbr.rel .LBB2_2-.Ltmp5, $4  }
0x1bf: {  	_ =	swait.ge [sflag:s13], $0x80  }
0x1c0: {  	[sflag:s13] =	ssyncset.done $0x0  }
0x1c1: {  	s26 =	sadd.s32 $0x1, s26;
	v15 =	vmov v6;
	v12 =	vmov v63;
	v11 =	vld [tilespmem:$0x1FF30];
	[sflag:s13] =	ssyncadd.s32 $0xFFFFFF80  }
0x1c2: {  	v13 =	vmovc v62;
	v14 =	vmovc v61;
	v10 =	vmov v60;
	v57 =	vmov v55;
	v6 =	vmov v5;
	v9 =	vld [tilespmem:$0x1FF20];
	[tilespmem:s16], [sflag:$0x2] =	stream.indirect.gather [hbm4b:s4+s14], $0x80, s14, s14, $0xb8  }
.LBB2_9:
0x1c3: {  	_ =	sfence.sel $0x180000  }
0x1c4: {  	[bflag:$0x0] =	sbarrier.arrive $0xFFFF  }
0x1c5: {  	_ =	strace $0x90000047  }
0x1c6: {  	[bflag:$0x2] =	sbarrier.arrive $0xFFFF  }
0x1c7: {  	p0 =	sne.s32 s1, $0x0;
	s0 =	rddreg [dreg:$0x2]  }
0x1c8: {  	s0 =	sadd.s32 @!p0 $0x100000, s0  }
0x1c9: {  	[sflag:s0] =	ssyncadd.tile.s32 @!p0 $0x1;
	_ =	shalt  }
.Lfunc_end2:
_tile_overlayer_lowered:
.L_overlay_start_2:
0x1ca: {  	(tag) =	ssettag $0x2  }
0x1cb: {  	s0 =	rddreg [dreg:$0x0];
	s2 =	stileid.u32  }
0x1cc: {  	s1 =	rddreg [dreg:$0x1];
	p0 =	sne.s32 s2, $0x0  }
0x1cd: {  	s3 =	rddreg [dreg:$0x2];
	[bflag:$0x3] =	sbarrier.arrive $0xFFFF;
	s2 =	simm.s32 @!p0 $0x1C05  }
0x1ce: {  	[timem:s3], [sflag:s2] =	dma.local @!p0 [hbm:s0], s1  }
0x1cf: {  	s0 =	simm.s32 @!p0 $0x5  }
0x1d0: {  	_ =	swait.ge @!p0 [sflag:s0], s1  }
0x1d1: {  	s1 =	ssub.s32 @!p0 $0x0, s1;
	[sflag:s0] =	ssyncset.done @!p0 $0x0  }
0x1d2: {  	[sflag:s0] =	ssyncadd.s32 @!p0 s1  }
0x1d3: {  	[bflag:$0x3] =	sbarrier.arrive $0xFFFF  }
0x1d4: {  	_ =	shalt  }

</sc_bundles>
